<compile_context>
chip_gen: v7x
topology: tpu7x:2x2x1
jax: 0.10.2.dev20260603
libtpu: 0.0.44.dev20260713+nightly
codegen_flags: <defaults>
</compile_context>

<pallas_src>
import math

import jax
import jax.numpy as jnp
from jax.experimental import pallas as pl
from jax.experimental.pallas import tpu as pltpu

_SCALE = 1.0 / 0.6
_INV3 = 1.0 / math.sqrt(3.0)
_PREC = jax.lax.Precision.DEFAULT


def _ssilu(v):
    return jax.nn.silu(v) * _SCALE


def _dot(a, b):
    return jax.lax.dot_general(
        a, b, (((1,), (0,)), ((), ())),
        preferred_element_type=jnp.float32, precision=_PREC)


def _node_body(x_ref, vec_ref, ef_ref, eu_ref, btr_ref, btc_ref,
               slt_ref, vlt_ref,
               wxp1_ref, bxp1_ref, wxp2_ref, bxp2_ref, wep_ref, bep_ref,
               wsl1a_ref, wsl1b_ref, bsl1_ref, wsl2_ref, bsl2_ref, wvl_ref,
               hx_ref, hvec_ref, psx_ref, psv_ref, pcnt_ref):
    f32 = jnp.float32
    blk, F = x_ref.shape
    B = slt_ref.shape[0]
    invh = 1.0 / math.sqrt(float(F))

    xb = x_ref[...]
    ids_c = btc_ref[0]
    ids_r = btr_ref[0]
    onehot = (ids_c == jax.lax.broadcasted_iota(jnp.int32, (1, B), 1)
              ).astype(f32)
    onehot_t = (jax.lax.broadcasted_iota(jnp.int32, (B, 1), 0) == ids_r
                ).astype(f32)

    t = _ssilu(_dot(xb, wxp1_ref[...]) + bxp1_ref[...])
    x_p = _dot(t, wxp2_ref[...]) + bxp2_ref[...]
    edge_p = _dot(ef_ref[...], wep_ref[...]) + bep_ref[...]
    prod = x_p * edge_p * _INV3
    x1 = prod[:, :F]
    x2 = prod[:, F:2 * F]
    xn = prod[:, 2 * F:] + xb

    slb = _dot(slt_ref[...], wsl1b_ref[...])
    h = _ssilu(_dot(xn, wsl1a_ref[...]) + _dot(onehot, slb) + bsl1_ref[...])
    hx = _ssilu(_dot(h, wsl2_ref[...]) + bsl2_ref[...]) + xn
    hx_ref[...] = hx
    psx_ref[0] = _dot(onehot_t, hx)
    pcnt_ref[0] = _dot(onehot_t, jnp.ones((blk, 8), f32))

    wvl = wvl_ref[...]
    for k in range(3):
        vk = vec_ref[:, k * F:(k + 1) * F]
        uk = eu_ref[:, k:k + 1]
        vecn_k = (x1 * vk + x2 * uk) * invh
        vlw = _dot(vlt_ref[:, k * F:(k + 1) * F], wvl)
        hvk = _dot(vecn_k, wvl) + _dot(onehot, vlw) + vecn_k
        hvec_ref[:, k * F:(k + 1) * F] = hvk
        psv_ref[0, :, k * F:(k + 1) * F] = _dot(onehot_t, hvk)


def _graph_body(psx_ref, psv_ref, pcnt_ref, slt_ref, vlt_ref,
                wsg1a_ref, wsg1b_ref, bsg1_ref, wsg2_ref, bsg2_ref, wvg_ref,
                wvlp_ref, wslp1a_ref, wslp1b_ref, bslp1_ref,
                wslp2_ref, bslp2_ref, wl_ref,
                sl_ref, vl_ref, ld_ref):
    B, F = slt_ref.shape[0], slt_ref.shape[1]
    sum_x = jnp.sum(psx_ref[...], axis=0)
    sum_v = jnp.sum(psv_ref[...], axis=0)
    cnt = jnp.sum(pcnt_ref[...], axis=0)
    rinv = 1.0 / jnp.maximum(cnt[:, 0:1], 1.0)

    scalar_l = slt_ref[...]
    mean_x = sum_x * rinv
    h = _ssilu(_dot(mean_x, wsg1a_ref[...]) + _dot(scalar_l, wsg1b_ref[...])
               + bsg1_ref[...])
    sl = scalar_l + _ssilu(_dot(h, wsg2_ref[...]) + bsg2_ref[...])

    wvg = wvg_ref[...]
    wvlp = wvlp_ref[...]
    vh1 = []
    vls = []
    vn2 = jnp.zeros((B, F), jnp.float32)
    for k in range(3):
        vl_k = vlt_ref[:, k, :]
        mean_vk = sum_v[:, k * F:(k + 1) * F] * rinv
        vlk = vl_k + _dot(mean_vk + vl_k, wvg)
        vls.append(vlk)
        vh = _dot(vlk, wvlp)
        vh1.append(vh[:, :F])
        vn2 = vn2 + vh[:, F:] * vh[:, F:]
    vnorm = jnp.sqrt(vn2 + 1e-8)

    sh = _dot(_ssilu(_dot(sl, wslp1a_ref[...]) + _dot(vnorm, wslp1b_ref[...])
                     + bslp1_ref[...]), wslp2_ref[...]) + bslp2_ref[...]
    sh1 = sh[:, :F]
    sh2 = sh[:, F:2 * F]
    gate = jnp.tanh(sh[:, 2 * F:])
    sl_ref[...] = sh2 + sl * gate
    wl = wl_ref[...]
    for k in range(3):
        vlo = sh1 * vh1[k] + vls[k]
        vl_ref[:, k, :] = vlo
        ld_ref[:, k, :] = _dot(vlo, wl)


def kernel(x, scalar_l, vec, vector_l, edge_feat, edge_udiff, batch,
           Wxp1, bxp1, Wxp2, bxp2, Wep, bep, Wsl1, bsl1, Wsl2, bsl2, Wvl,
           Wsg1, bsg1, Wsg2, bsg2, Wvg, Wvlp, Wslp1, bslp1, Wslp2, bslp2, Wl):
    N, F = x.shape
    B = scalar_l.shape[0]
    R = edge_feat.shape[1]
    blk = 2000
    nb = N // blk

    bt_row = batch.reshape(nb, 1, blk)
    bt_col = batch.reshape(nb, blk, 1)
    r2 = lambda b: b.reshape(1, -1)

    rep = lambda shape: pl.BlockSpec(shape, lambda i: (0,) * len(shape))

    f32 = jnp.float32
    out_shape = [
        jax.ShapeDtypeStruct((N, F), f32),
        jax.ShapeDtypeStruct((N, 3 * F), f32),
        jax.ShapeDtypeStruct((nb, B, F), f32),
        jax.ShapeDtypeStruct((nb, B, 3 * F), f32),
        jax.ShapeDtypeStruct((nb, B, 8), f32),
    ]
    in_specs = [
        pl.BlockSpec((blk, F), lambda i: (i, 0)),
        pl.BlockSpec((blk, 3 * F), lambda i: (i, 0)),
        pl.BlockSpec((blk, R), lambda i: (i, 0)),
        pl.BlockSpec((blk, 3), lambda i: (i, 0)),
        pl.BlockSpec((1, 1, blk), lambda i: (i, 0, 0)),
        pl.BlockSpec((1, blk, 1), lambda i: (i, 0, 0)),
        rep((B, F)), rep((B, 3 * F)),
        rep((F, F)), rep((1, F)), rep((F, 3 * F)), rep((1, 3 * F)),
        rep((R, 3 * F)), rep((1, 3 * F)),
        rep((F, F)), rep((F, F)), rep((1, F)),
        rep((F, F)), rep((1, F)), rep((F, F)),
    ]
    out_specs = [
        pl.BlockSpec((blk, F), lambda i: (i, 0)),
        pl.BlockSpec((blk, 3 * F), lambda i: (i, 0)),
        pl.BlockSpec((1, B, F), lambda i: (i, 0, 0)),
        pl.BlockSpec((1, B, 3 * F), lambda i: (i, 0, 0)),
        pl.BlockSpec((1, B, 8), lambda i: (i, 0, 0)),
    ]
    hx, hvf, psx, psv, pcnt = pl.pallas_call(
        _node_body,
        grid=(nb,),
        in_specs=in_specs,
        out_specs=out_specs,
        out_shape=out_shape,
        compiler_params=pltpu.CompilerParams(
            dimension_semantics=("arbitrary",)),
    )(x, vec.reshape(N, 3 * F), edge_feat, edge_udiff, bt_row, bt_col,
      scalar_l, vector_l.reshape(B, 3 * F),
      Wxp1, r2(bxp1), Wxp2, r2(bxp2), Wep, r2(bep),
      Wsl1[:F], Wsl1[F:], r2(bsl1), Wsl2, r2(bsl2), Wvl)
    hvec = hvf.reshape(N, 3, F)

    sl, vl, l_delta = pl.pallas_call(
        _graph_body,
        out_shape=[
            jax.ShapeDtypeStruct((B, F), f32),
            jax.ShapeDtypeStruct((B, 3, F), f32),
            jax.ShapeDtypeStruct((B, 3, 1), f32),
        ],
    )(psx, psv, pcnt, scalar_l, vector_l,
      Wsg1[:F], Wsg1[F:], r2(bsg1), Wsg2, r2(bsg2), Wvg,
      Wvlp, Wslp1[:F], Wslp1[F:], r2(bslp1), Wslp2, r2(bslp2), Wl)

    return (hx, hvec, sl, vl, l_delta)

# --- scband reference (transcript-rebuilt; emitter-appended) ---
"""Pipeline reference for scband-lattice-node-40192303956690 (READ-ONLY COPY).

The authoritative reference and input builder live on the scoring server;
editing this copy changes nothing except your own understanding.
"""

import jax, jax.numpy as jnp
import numpy as np
import math

N = 100000; B = 64; F = 128; R = 16
SCALE = 1.0 / 0.6
INV3 = 1.0 / math.sqrt(3.0)
INVH = 1.0 / math.sqrt(float(F))

def ssilu(x):
    return jax.nn.silu(x) * SCALE

def seg_mean(data, ids, num):
    s = jax.ops.segment_sum(data, ids, num_segments=num)
    c = jax.ops.segment_sum(jnp.ones((data.shape[0],), data.dtype), ids, num_segments=num)
    c = jnp.maximum(c, 1.0)
    return s / c.reshape((num,) + (1,) * (data.ndim - 1))

def setup_inputs(seed: int = 0):
    key = jax.random.key(seed)
    ks = jax.random.split(key, 40)
    def p(k, shape):
        return (jax.random.normal(k, shape, jnp.float32) / math.sqrt(shape[0])).astype(jnp.float32)
    inp = {}
    inp['x'] = jax.random.normal(ks[0], (N, F), jnp.float32)
    inp['scalar_l'] = jax.random.normal(ks[1], (B, F), jnp.float32)
    inp['vec'] = jax.random.normal(ks[2], (N, 3, F), jnp.float32)
    inp['vector_l'] = jax.random.normal(ks[3], (B, 3, F), jnp.float32)
    inp['edge_feat'] = jax.random.uniform(ks[4], (N, R), jnp.float32)
    inp['edge_udiff'] = jax.random.normal(ks[5], (N, 3), jnp.float32)
    inp['batch'] = jnp.sort(jax.random.randint(ks[6], (N,), 0, B, dtype=jnp.int32))
    inp['Wxp1'] = p(ks[7], (F, F)); inp['bxp1'] = jnp.zeros((F,), jnp.float32)
    inp['Wxp2'] = p(ks[8], (F, 3 * F)); inp['bxp2'] = jnp.zeros((3 * F,), jnp.float32)
    inp['Wep'] = p(ks[9], (R, 3 * F)); inp['bep'] = jnp.zeros((3 * F,), jnp.float32)
    inp['Wsl1'] = p(ks[10], (2 * F, F)); inp['bsl1'] = jnp.zeros((F,), jnp.float32)
    inp['Wsl2'] = p(ks[11], (F, F)); inp['bsl2'] = jnp.zeros((F,), jnp.float32)
    inp['Wvl'] = p(ks[12], (F, F))
    inp['Wsg1'] = p(ks[13], (2 * F, F)); inp['bsg1'] = jnp.zeros((F,), jnp.float32)
    inp['Wsg2'] = p(ks[14], (F, F)); inp['bsg2'] = jnp.zeros((F,), jnp.float32)
    inp['Wvg'] = p(ks[15], (F, F))
    inp['Wvlp'] = p(ks[16], (F, 2 * F))
    inp['Wslp1'] = p(ks[17], (2 * F, F)); inp['bslp1'] = jnp.zeros((F,), jnp.float32)
    inp['Wslp2'] = p(ks[18], (F, 3 * F)); inp['bslp2'] = jnp.zeros((3 * F,), jnp.float32)
    inp['Wl'] = p(ks[19], (F, 1))
    return inp

def _forward(batch, x, scalar_l, vec, vector_l, edge_feat, edge_udiff, Wxp1, bxp1, Wxp2, bxp2, Wep, bep, Wsl1, bsl1, Wsl2, bsl2, Wvl, Wsg1, bsg1, Wsg2, bsg2, Wvg, Wvlp, Wslp1, bslp1, Wslp2, bslp2, Wl):
    # update_local_emb
    x_p = ssilu(x @ Wxp1 + bxp1) @ Wxp2 + bxp2
    edge_p = edge_feat @ Wep + bep
    prod = x_p * edge_p * INV3
    x1 = prod[:, :F]; x2 = prod[:, F:2 * F]; x3 = prod[:, 2 * F:]
    xn = x3 + x
    vecn = (x1[:, None, :] * vec + x2[:, None, :] * edge_udiff[:, :, None]) * INVH
    hx = ssilu(ssilu(jnp.concatenate([xn, scalar_l[batch]], axis=1) @ Wsl1 + bsl1) @ Wsl2 + bsl2) + xn
    hvec = (vecn + vector_l[batch]) @ Wvl + vecn
    # update_global_emb
    mean_x = seg_mean(hx, batch, B)
    scalar_l_temp = ssilu(ssilu(jnp.concatenate([mean_x, scalar_l], axis=-1) @ Wsg1 + bsg1) @ Wsg2 + bsg2)
    mean_vec = seg_mean(hvec, batch, B)
    vector_l_temp = (mean_vec + vector_l) @ Wvg
    sl = scalar_l + scalar_l_temp
    vl = vector_l + vector_l_temp
    vh = vl @ Wvlp
    vh1 = vh[..., :F]; vh2 = vh[..., F:]
    vnorm = jnp.sqrt(jnp.sum(vh2 ** 2, axis=-2) + 1e-08)
    sh = ssilu(jnp.concatenate([sl, vnorm], axis=-1) @ Wslp1 + bslp1) @ Wslp2 + bslp2
    sh1 = sh[:, :F]; sh2 = sh[:, F:2 * F]; sh3 = sh[:, 2 * F:]
    gate = jnp.tanh(sh3)
    sl = sh2 + sl * gate
    vl = sh1[:, None, :] * vh1 + vl
    # update_lattice_vector
    l_delta = vl @ Wl
    return (hx, hvec, sl, vl, l_delta)

def reference(x, scalar_l, vec, vector_l, edge_feat, edge_udiff, batch, Wxp1, bxp1, Wxp2, bxp2, Wep, bep, Wsl1, bsl1, Wsl2, bsl2, Wvl, Wsg1, bsg1, Wsg2, bsg2, Wvg, Wvlp, Wslp1, bslp1, Wslp2, bslp2, Wl):
    return _forward(batch, x, scalar_l, vec, vector_l, edge_feat, edge_udiff, Wxp1, bxp1, Wxp2, bxp2, Wep, bep, Wsl1, bsl1, Wsl2, bsl2, Wvl, Wsg1, bsg1, Wsg2, bsg2, Wvg, Wvlp, Wslp1, bslp1, Wslp2, bslp2, Wl)

if __name__ == "__main__":
    import jax
    _d = setup_inputs()
    print(jax.jit(kernel)(*tuple(_d.values())))

</pallas_src>

<mosaic_0001>
module attributes {stable_mosaic.version = 14 : i64} {
  func.func @_node_body(%arg0: i32, %arg1: memref<2000x128xf32, #tpu.memory_space<vmem>>, %arg2: memref<2000x384xf32, #tpu.memory_space<vmem>>, %arg3: memref<2000x16xf32, #tpu.memory_space<vmem>>, %arg4: memref<2000x3xf32, #tpu.memory_space<vmem>>, %arg5: memref<1x1x2000xi32, #tpu.memory_space<vmem>>, %arg6: memref<1x2000x1xi32, #tpu.memory_space<vmem>>, %arg7: memref<64x128xf32, #tpu.memory_space<vmem>>, %arg8: memref<64x384xf32, #tpu.memory_space<vmem>>, %arg9: memref<128x128xf32, #tpu.memory_space<vmem>>, %arg10: memref<1x128xf32, #tpu.memory_space<vmem>>, %arg11: memref<128x384xf32, #tpu.memory_space<vmem>>, %arg12: memref<1x384xf32, #tpu.memory_space<vmem>>, %arg13: memref<16x384xf32, #tpu.memory_space<vmem>>, %arg14: memref<1x384xf32, #tpu.memory_space<vmem>>, %arg15: memref<128x128xf32, #tpu.memory_space<vmem>>, %arg16: memref<128x128xf32, #tpu.memory_space<vmem>>, %arg17: memref<1x128xf32, #tpu.memory_space<vmem>>, %arg18: memref<128x128xf32, #tpu.memory_space<vmem>>, %arg19: memref<1x128xf32, #tpu.memory_space<vmem>>, %arg20: memref<128x128xf32, #tpu.memory_space<vmem>>, %arg21: memref<2000x128xf32, #tpu.memory_space<vmem>>, %arg22: memref<2000x384xf32, #tpu.memory_space<vmem>>, %arg23: memref<1x64x128xf32, #tpu.memory_space<vmem>>, %arg24: memref<1x64x384xf32, #tpu.memory_space<vmem>>, %arg25: memref<1x64x8xf32, #tpu.memory_space<vmem>>) attributes {dimension_semantics = [#tpu.dimension_semantics<arbitrary>], iteration_bounds = array<i64: 50>, scalar_prefetch = 0 : i64, scratch_operands = 0 : i64, tpu.core_type = #tpu.core_type<tc>, window_params = [{transform_indices = @transform_0, window_bounds = array<i64: 2000, 128>}, {transform_indices = @transform_1, window_bounds = array<i64: 2000, 384>}, {transform_indices = @transform_2, window_bounds = array<i64: 2000, 16>}, {transform_indices = @transform_3, window_bounds = array<i64: 2000, 3>}, {transform_indices = @transform_4, window_bounds = array<i64: 1, 1, 2000>}, {transform_indices = @transform_5, window_bounds = array<i64: 1, 2000, 1>}, {pipeline_mode = #tpu.pipeline_mode<synchronous>, transform_indices = @transform_6, window_bounds = array<i64: 64, 128>}, {pipeline_mode = #tpu.pipeline_mode<synchronous>, transform_indices = @transform_7, window_bounds = array<i64: 64, 384>}, {pipeline_mode = #tpu.pipeline_mode<synchronous>, transform_indices = @transform_8, window_bounds = array<i64: 128, 128>}, {pipeline_mode = #tpu.pipeline_mode<synchronous>, transform_indices = @transform_9, window_bounds = array<i64: 1, 128>}, {pipeline_mode = #tpu.pipeline_mode<synchronous>, transform_indices = @transform_10, window_bounds = array<i64: 128, 384>}, {pipeline_mode = #tpu.pipeline_mode<synchronous>, transform_indices = @transform_11, window_bounds = array<i64: 1, 384>}, {pipeline_mode = #tpu.pipeline_mode<synchronous>, transform_indices = @transform_12, window_bounds = array<i64: 16, 384>}, {pipeline_mode = #tpu.pipeline_mode<synchronous>, transform_indices = @transform_13, window_bounds = array<i64: 1, 384>}, {pipeline_mode = #tpu.pipeline_mode<synchronous>, transform_indices = @transform_14, window_bounds = array<i64: 128, 128>}, {pipeline_mode = #tpu.pipeline_mode<synchronous>, transform_indices = @transform_15, window_bounds = array<i64: 128, 128>}, {pipeline_mode = #tpu.pipeline_mode<synchronous>, transform_indices = @transform_16, window_bounds = array<i64: 1, 128>}, {pipeline_mode = #tpu.pipeline_mode<synchronous>, transform_indices = @transform_17, window_bounds = array<i64: 128, 128>}, {pipeline_mode = #tpu.pipeline_mode<synchronous>, transform_indices = @transform_18, window_bounds = array<i64: 1, 128>}, {pipeline_mode = #tpu.pipeline_mode<synchronous>, transform_indices = @transform_19, window_bounds = array<i64: 128, 128>}, {transform_indices = @transform_20, window_bounds = array<i64: 2000, 128>}, {transform_indices = @transform_21, window_bounds = array<i64: 2000, 384>}, {transform_indices = @transform_22, window_bounds = array<i64: 1, 64, 128>}, {transform_indices = @transform_23, window_bounds = array<i64: 1, 64, 384>}, {transform_indices = @transform_24, window_bounds = array<i64: 1, 64, 8>}]} {
    %get3A = arith.constant 0 : index
    %get3A_0 = arith.constant 0 : index
    %get3A_1 = vector.load %arg1[%get3A, %get3A_0] : memref<2000x128xf32, #tpu.memory_space<vmem>>, vector<2000x128xf32>
    %get3A_2 = arith.constant 0 : index
    %get3A_3 = arith.constant 0 : index
    %get3A_4 = arith.constant 0 : index
    %get3A_5 = vector.load %arg6[%get3A_2, %get3A_3, %get3A_4] : memref<1x2000x1xi32, #tpu.memory_space<vmem>>, vector<1x2000x1xi32>
    %get3A_6 = vector.shape_cast %get3A_5 : vector<1x2000x1xi32> to vector<2000x1xi32>
    %get3A_7 = arith.constant 0 : index
    %get3A_8 = arith.constant 0 : index
    %get3A_9 = arith.constant 0 : index
    %get3A_10 = vector.load %arg5[%get3A_7, %get3A_8, %get3A_9] : memref<1x1x2000xi32, #tpu.memory_space<vmem>>, vector<1x1x2000xi32>
    %get3A_11 = vector.shape_cast %get3A_10 : vector<1x1x2000xi32> to vector<1x2000xi32>
    %iota3A = tpu.iota {dimensions = array<i32: 1>} : vector<1x64xi32>
    %eq3A = vector.broadcast %get3A_6 : vector<2000x1xi32> to vector<2000x64xi32>
    %eq3A_12 = vector.broadcast %iota3A : vector<1x64xi32> to vector<2000x64xi32>
    %eq3A_13 = arith.cmpi eq, %eq3A, %eq3A_12 : vector<2000x64xi32>
    %convert_element_type3A = arith.extui %eq3A_13 : vector<2000x64xi1> to vector<2000x64xi32>
    %convert_element_type3A_14 = arith.sitofp %convert_element_type3A : vector<2000x64xi32> to vector<2000x64xf32>
    %iota3A_15 = tpu.iota {dimensions = array<i32: 0>} : vector<64x1xi32>
    %eq3A_16 = vector.broadcast %iota3A_15 : vector<64x1xi32> to vector<64x2000xi32>
    %eq3A_17 = vector.broadcast %get3A_11 : vector<1x2000xi32> to vector<64x2000xi32>
    %eq3A_18 = arith.cmpi eq, %eq3A_16, %eq3A_17 : vector<64x2000xi32>
    %convert_element_type3A_19 = arith.extui %eq3A_18 : vector<64x2000xi1> to vector<64x2000xi32>
    %convert_element_type3A_20 = arith.sitofp %convert_element_type3A_19 : vector<64x2000xi32> to vector<64x2000xf32>
    %get3A_21 = arith.constant 0 : index
    %get3A_22 = arith.constant 0 : index
    %get3A_23 = vector.load %arg9[%get3A_21, %get3A_22] : memref<128x128xf32, #tpu.memory_space<vmem>>, vector<128x128xf32>
    %dot_general3A = arith.constant dense<0.000000e+00> : vector<2000x128xf32>
    %dot_general3A_24 = tpu.matmul %get3A_1, %get3A_23, %dot_general3A {dimension_numbers = #tpu.dot_dimension_numbers<[1], [0], [0], [1], [0, 0, 1, 1], [], []>, transpose_lhs_hint = false} : vector<2000x128xf32>, vector<128x128xf32>, vector<2000x128xf32> -> vector<2000x128xf32>
    %get3A_25 = arith.constant 0 : index
    %get3A_26 = arith.constant 0 : index
    %get3A_27 = vector.load %arg10[%get3A_25, %get3A_26] : memref<1x128xf32, #tpu.memory_space<vmem>>, vector<1x128xf32>
    %add3A = vector.broadcast %get3A_27 : vector<1x128xf32> to vector<2000x128xf32>
    %add3A_28 = arith.addf %dot_general3A_24, %add3A : vector<2000x128xf32>
    %logistic3A = arith.negf %add3A_28 : vector<2000x128xf32>
    %logistic3A_29 = math.exp %logistic3A : vector<2000x128xf32>
    %logistic3A_30 = arith.constant 1.000000e+00 : f32
    %logistic3A_31 = vector.broadcast %logistic3A_30 : f32 to vector<2000x128xf32>
    %logistic3A_32 = arith.addf %logistic3A_31, %logistic3A_29 : vector<2000x128xf32>
    %logistic3A_33 = arith.divf %logistic3A_31, %logistic3A_32 : vector<2000x128xf32>
    %mul3A = arith.mulf %add3A_28, %logistic3A_33 : vector<2000x128xf32>
    %mul3A_34 = arith.constant 1.66666663 : f32
    %mul3A_35 = vector.broadcast %mul3A_34 : f32 to vector<2000x128xf32>
    %mul3A_36 = arith.mulf %mul3A, %mul3A_35 : vector<2000x128xf32>
    %get3A_37 = arith.constant 0 : index
    %get3A_38 = arith.constant 0 : index
    %get3A_39 = vector.load %arg11[%get3A_37, %get3A_38] : memref<128x384xf32, #tpu.memory_space<vmem>>, vector<128x384xf32>
    %dot_general3A_40 = arith.constant dense<0.000000e+00> : vector<2000x384xf32>
    %dot_general3A_41 = tpu.matmul %mul3A_36, %get3A_39, %dot_general3A_40 {dimension_numbers = #tpu.dot_dimension_numbers<[1], [0], [0], [1], [0, 0, 1, 1], [], []>, transpose_lhs_hint = false} : vector<2000x128xf32>, vector<128x384xf32>, vector<2000x384xf32> -> vector<2000x384xf32>
    %get3A_42 = arith.constant 0 : index
    %get3A_43 = arith.constant 0 : index
    %get3A_44 = vector.load %arg12[%get3A_42, %get3A_43] : memref<1x384xf32, #tpu.memory_space<vmem>>, vector<1x384xf32>
    %add3A_45 = vector.broadcast %get3A_44 : vector<1x384xf32> to vector<2000x384xf32>
    %add3A_46 = arith.addf %dot_general3A_41, %add3A_45 : vector<2000x384xf32>
    %get3A_47 = arith.constant 0 : index
    %get3A_48 = arith.constant 0 : index
    %get3A_49 = vector.load %arg3[%get3A_47, %get3A_48] : memref<2000x16xf32, #tpu.memory_space<vmem>>, vector<2000x16xf32>
    %get3A_50 = arith.constant 0 : index
    %get3A_51 = arith.constant 0 : index
    %get3A_52 = vector.load %arg13[%get3A_50, %get3A_51] : memref<16x384xf32, #tpu.memory_space<vmem>>, vector<16x384xf32>
    %dot_general3A_53 = arith.constant dense<0.000000e+00> : vector<2000x384xf32>
    %dot_general3A_54 = tpu.matmul %get3A_49, %get3A_52, %dot_general3A_53 {dimension_numbers = #tpu.dot_dimension_numbers<[1], [0], [0], [1], [0, 0, 1, 1], [], []>, transpose_lhs_hint = false} : vector<2000x16xf32>, vector<16x384xf32>, vector<2000x384xf32> -> vector<2000x384xf32>
    %get3A_55 = arith.constant 0 : index
    %get3A_56 = arith.constant 0 : index
    %get3A_57 = vector.load %arg14[%get3A_55, %get3A_56] : memref<1x384xf32, #tpu.memory_space<vmem>>, vector<1x384xf32>
    %add3A_58 = vector.broadcast %get3A_57 : vector<1x384xf32> to vector<2000x384xf32>
    %add3A_59 = arith.addf %dot_general3A_54, %add3A_58 : vector<2000x384xf32>
    %mul3A_60 = arith.mulf %add3A_46, %add3A_59 : vector<2000x384xf32>
    %mul3A_61 = arith.constant 0.577350259 : f32
    %mul3A_62 = vector.broadcast %mul3A_61 : f32 to vector<2000x384xf32>
    %mul3A_63 = arith.mulf %mul3A_60, %mul3A_62 : vector<2000x384xf32>
    %slice3A = vector.extract_strided_slice %mul3A_63 {offsets = [0, 0], sizes = [2000, 128], strides = [1, 1]} : vector<2000x384xf32> to vector<2000x128xf32>
    %slice3A_64 = vector.extract_strided_slice %mul3A_63 {offsets = [0, 128], sizes = [2000, 128], strides = [1, 1]} : vector<2000x384xf32> to vector<2000x128xf32>
    %slice3A_65 = vector.extract_strided_slice %mul3A_63 {offsets = [0, 256], sizes = [2000, 128], strides = [1, 1]} : vector<2000x384xf32> to vector<2000x128xf32>
    %add3A_66 = arith.addf %slice3A_65, %get3A_1 : vector<2000x128xf32>
    %get3A_67 = arith.constant 0 : index
    %get3A_68 = arith.constant 0 : index
    %get3A_69 = vector.load %arg7[%get3A_67, %get3A_68] : memref<64x128xf32, #tpu.memory_space<vmem>>, vector<64x128xf32>
    %get3A_70 = arith.constant 0 : index
    %get3A_71 = arith.constant 0 : index
    %get3A_72 = vector.load %arg16[%get3A_70, %get3A_71] : memref<128x128xf32, #tpu.memory_space<vmem>>, vector<128x128xf32>
    %dot_general3A_73 = arith.constant dense<0.000000e+00> : vector<64x128xf32>
    %dot_general3A_74 = tpu.matmul %get3A_69, %get3A_72, %dot_general3A_73 {dimension_numbers = #tpu.dot_dimension_numbers<[1], [0], [0], [1], [0, 0, 1, 1], [], []>, transpose_lhs_hint = false} : vector<64x128xf32>, vector<128x128xf32>, vector<64x128xf32> -> vector<64x128xf32>
    %get3A_75 = arith.constant 0 : index
    %get3A_76 = arith.constant 0 : index
    %get3A_77 = vector.load %arg15[%get3A_75, %get3A_76] : memref<128x128xf32, #tpu.memory_space<vmem>>, vector<128x128xf32>
    %dot_general3A_78 = arith.constant dense<0.000000e+00> : vector<2000x128xf32>
    %dot_general3A_79 = tpu.matmul %add3A_66, %get3A_77, %dot_general3A_78 {dimension_numbers = #tpu.dot_dimension_numbers<[1], [0], [0], [1], [0, 0, 1, 1], [], []>, transpose_lhs_hint = false} : vector<2000x128xf32>, vector<128x128xf32>, vector<2000x128xf32> -> vector<2000x128xf32>
    %dot_general3A_80 = arith.constant dense<0.000000e+00> : vector<2000x128xf32>
    %dot_general3A_81 = tpu.matmul %convert_element_type3A_14, %dot_general3A_74, %dot_general3A_80 {dimension_numbers = #tpu.dot_dimension_numbers<[1], [0], [0], [1], [0, 0, 1, 1], [], []>, transpose_lhs_hint = false} : vector<2000x64xf32>, vector<64x128xf32>, vector<2000x128xf32> -> vector<2000x128xf32>
    %add3A_82 = arith.addf %dot_general3A_79, %dot_general3A_81 : vector<2000x128xf32>
    %get3A_83 = arith.constant 0 : index
    %get3A_84 = arith.constant 0 : index
    %get3A_85 = vector.load %arg17[%get3A_83, %get3A_84] : memref<1x128xf32, #tpu.memory_space<vmem>>, vector<1x128xf32>
    %add3A_86 = vector.broadcast %get3A_85 : vector<1x128xf32> to vector<2000x128xf32>
    %add3A_87 = arith.addf %add3A_82, %add3A_86 : vector<2000x128xf32>
    %logistic3A_88 = arith.negf %add3A_87 : vector<2000x128xf32>
    %logistic3A_89 = math.exp %logistic3A_88 : vector<2000x128xf32>
    %logistic3A_90 = arith.constant 1.000000e+00 : f32
    %logistic3A_91 = vector.broadcast %logistic3A_90 : f32 to vector<2000x128xf32>
    %logistic3A_92 = arith.addf %logistic3A_91, %logistic3A_89 : vector<2000x128xf32>
    %logistic3A_93 = arith.divf %logistic3A_91, %logistic3A_92 : vector<2000x128xf32>
    %mul3A_94 = arith.mulf %add3A_87, %logistic3A_93 : vector<2000x128xf32>
    %mul3A_95 = arith.constant 1.66666663 : f32
    %mul3A_96 = vector.broadcast %mul3A_95 : f32 to vector<2000x128xf32>
    %mul3A_97 = arith.mulf %mul3A_94, %mul3A_96 : vector<2000x128xf32>
    %get3A_98 = arith.constant 0 : index
    %get3A_99 = arith.constant 0 : index
    %get3A_100 = vector.load %arg18[%get3A_98, %get3A_99] : memref<128x128xf32, #tpu.memory_space<vmem>>, vector<128x128xf32>
    %dot_general3A_101 = arith.constant dense<0.000000e+00> : vector<2000x128xf32>
    %dot_general3A_102 = tpu.matmul %mul3A_97, %get3A_100, %dot_general3A_101 {dimension_numbers = #tpu.dot_dimension_numbers<[1], [0], [0], [1], [0, 0, 1, 1], [], []>, transpose_lhs_hint = false} : vector<2000x128xf32>, vector<128x128xf32>, vector<2000x128xf32> -> vector<2000x128xf32>
    %get3A_103 = arith.constant 0 : index
    %get3A_104 = arith.constant 0 : index
    %get3A_105 = vector.load %arg19[%get3A_103, %get3A_104] : memref<1x128xf32, #tpu.memory_space<vmem>>, vector<1x128xf32>
    %add3A_106 = vector.broadcast %get3A_105 : vector<1x128xf32> to vector<2000x128xf32>
    %add3A_107 = arith.addf %dot_general3A_102, %add3A_106 : vector<2000x128xf32>
    %logistic3A_108 = arith.negf %add3A_107 : vector<2000x128xf32>
    %logistic3A_109 = math.exp %logistic3A_108 : vector<2000x128xf32>
    %logistic3A_110 = arith.constant 1.000000e+00 : f32
    %logistic3A_111 = vector.broadcast %logistic3A_110 : f32 to vector<2000x128xf32>
    %logistic3A_112 = arith.addf %logistic3A_111, %logistic3A_109 : vector<2000x128xf32>
    %logistic3A_113 = arith.divf %logistic3A_111, %logistic3A_112 : vector<2000x128xf32>
    %mul3A_114 = arith.mulf %add3A_107, %logistic3A_113 : vector<2000x128xf32>
    %mul3A_115 = arith.constant 1.66666663 : f32
    %mul3A_116 = vector.broadcast %mul3A_115 : f32 to vector<2000x128xf32>
    %mul3A_117 = arith.mulf %mul3A_114, %mul3A_116 : vector<2000x128xf32>
    %add3A_118 = arith.addf %mul3A_117, %add3A_66 : vector<2000x128xf32>
    %swap3A = arith.constant 0 : index
    %swap3A_119 = arith.constant 0 : index
    %swap3A_120 = vector.load %arg21[%swap3A, %swap3A_119] : memref<2000x128xf32, #tpu.memory_space<vmem>>, vector<2000x128xf32>
    tpu.vector_store %arg21[%swap3A, %swap3A_119], %add3A_118 {strides = array<i32>} : memref<2000x128xf32, #tpu.memory_space<vmem>>, vector<2000x128xf32>,
    %dot_general3A_121 = arith.constant dense<0.000000e+00> : vector<64x128xf32>
    %dot_general3A_122 = tpu.matmul %convert_element_type3A_20, %add3A_118, %dot_general3A_121 {dimension_numbers = #tpu.dot_dimension_numbers<[1], [0], [0], [1], [0, 0, 1, 1], [], []>, transpose_lhs_hint = false} : vector<64x2000xf32>, vector<2000x128xf32>, vector<64x128xf32> -> vector<64x128xf32>
    %swap3A_123 = arith.constant 0 : index
    %swap3A_124 = arith.constant 0 : index
    %swap3A_125 = arith.constant 0 : index
    %swap3A_126 = vector.load %arg23[%swap3A_123, %swap3A_124, %swap3A_125] : memref<1x64x128xf32, #tpu.memory_space<vmem>>, vector<1x64x128xf32>
    %swap3A_127 = vector.shape_cast %swap3A_126 : vector<1x64x128xf32> to vector<64x128xf32>
    %swap3A_128 = vector.shape_cast %dot_general3A_122 : vector<64x128xf32> to vector<1x64x128xf32>
    tpu.vector_store %arg23[%swap3A_123, %swap3A_124, %swap3A_125], %swap3A_128 {strides = array<i32>} : memref<1x64x128xf32, #tpu.memory_space<vmem>>, vector<1x64x128xf32>,
    %broadcast_in_dim3A = arith.constant 1.000000e+00 : f32
    %broadcast_in_dim3A_129 = vector.broadcast %broadcast_in_dim3A : f32 to vector<2000x8xf32>
    %dot_general3A_130 = arith.constant dense<0.000000e+00> : vector<64x8xf32>
    %dot_general3A_131 = tpu.matmul %convert_element_type3A_20, %broadcast_in_dim3A_129, %dot_general3A_130 {dimension_numbers = #tpu.dot_dimension_numbers<[1], [0], [0], [1], [0, 0, 1, 1], [], []>, transpose_lhs_hint = false} : vector<64x2000xf32>, vector<2000x8xf32>, vector<64x8xf32> -> vector<64x8xf32>
    %swap3A_132 = arith.constant 0 : index
    %swap3A_133 = arith.constant 0 : index
    %swap3A_134 = arith.constant 0 : index
    %swap3A_135 = vector.load %arg25[%swap3A_132, %swap3A_133, %swap3A_134] : memref<1x64x8xf32, #tpu.memory_space<vmem>>, vector<1x64x8xf32>
    %swap3A_136 = vector.shape_cast %swap3A_135 : vector<1x64x8xf32> to vector<64x8xf32>
    %swap3A_137 = vector.shape_cast %dot_general3A_131 : vector<64x8xf32> to vector<1x64x8xf32>
    tpu.vector_store %arg25[%swap3A_132, %swap3A_133, %swap3A_134], %swap3A_137 {strides = array<i32>} : memref<1x64x8xf32, #tpu.memory_space<vmem>>, vector<1x64x8xf32>,
    %get3A_138 = arith.constant 0 : index
    %get3A_139 = arith.constant 0 : index
    %get3A_140 = vector.load %arg20[%get3A_138, %get3A_139] : memref<128x128xf32, #tpu.memory_space<vmem>>, vector<128x128xf32>
    %get3A_141 = arith.constant 0 : index
    %get3A_142 = arith.constant 0 : index
    %get3A_143 = vector.load %arg2[%get3A_141, %get3A_142] : memref<2000x384xf32, #tpu.memory_space<vmem>>, vector<2000x128xf32>
    %get3A_144 = arith.constant 0 : index
    %get3A_145 = arith.constant 0 : index
    %get3A_146 = vector.load %arg4[%get3A_144, %get3A_145] : memref<2000x3xf32, #tpu.memory_space<vmem>>, vector<2000x1xf32>
    %mul3A_147 = arith.mulf %slice3A, %get3A_143 : vector<2000x128xf32>
    %mul3A_148 = vector.broadcast %get3A_146 : vector<2000x1xf32> to vector<2000x128xf32>
    %mul3A_149 = arith.mulf %slice3A_64, %mul3A_148 : vector<2000x128xf32>
    %add3A_150 = arith.addf %mul3A_147, %mul3A_149 : vector<2000x128xf32>
    %mul3A_151 = arith.constant 0.0883883461 : f32
    %mul3A_152 = vector.broadcast %mul3A_151 : f32 to vector<2000x128xf32>
    %mul3A_153 = arith.mulf %add3A_150, %mul3A_152 : vector<2000x128xf32>
    %get3A_154 = arith.constant 0 : index
    %get3A_155 = arith.constant 0 : index
    %get3A_156 = vector.load %arg8[%get3A_154, %get3A_155] : memref<64x384xf32, #tpu.memory_space<vmem>>, vector<64x128xf32>
    %dot_general3A_157 = arith.constant dense<0.000000e+00> : vector<64x128xf32>
    %dot_general3A_158 = tpu.matmul %get3A_156, %get3A_140, %dot_general3A_157 {dimension_numbers = #tpu.dot_dimension_numbers<[1], [0], [0], [1], [0, 0, 1, 1], [], []>, transpose_lhs_hint = false} : vector<64x128xf32>, vector<128x128xf32>, vector<64x128xf32> -> vector<64x128xf32>
    %dot_general3A_159 = arith.constant dense<0.000000e+00> : vector<2000x128xf32>
    %dot_general3A_160 = tpu.matmul %mul3A_153, %get3A_140, %dot_general3A_159 {dimension_numbers = #tpu.dot_dimension_numbers<[1], [0], [0], [1], [0, 0, 1, 1], [], []>, transpose_lhs_hint = false} : vector<2000x128xf32>, vector<128x128xf32>, vector<2000x128xf32> -> vector<2000x128xf32>
    %dot_general3A_161 = arith.constant dense<0.000000e+00> : vector<2000x128xf32>
    %dot_general3A_162 = tpu.matmul %convert_element_type3A_14, %dot_general3A_158, %dot_general3A_161 {dimension_numbers = #tpu.dot_dimension_numbers<[1], [0], [0], [1], [0, 0, 1, 1], [], []>, transpose_lhs_hint = false} : vector<2000x64xf32>, vector<64x128xf32>, vector<2000x128xf32> -> vector<2000x128xf32>
    %add3A_163 = arith.addf %dot_general3A_160, %dot_general3A_162 : vector<2000x128xf32>
    %add3A_164 = arith.addf %add3A_163, %mul3A_153 : vector<2000x128xf32>
    %swap3A_165 = arith.constant 0 : index
    %swap3A_166 = arith.constant 0 : index
    %swap3A_167 = vector.load %arg22[%swap3A_165, %swap3A_166] : memref<2000x384xf32, #tpu.memory_space<vmem>>, vector<2000x128xf32>
    tpu.vector_store %arg22[%swap3A_165, %swap3A_166], %add3A_164 {strides = array<i32>} : memref<2000x384xf32, #tpu.memory_space<vmem>>, vector<2000x128xf32>,
    %dot_general3A_168 = arith.constant dense<0.000000e+00> : vector<64x128xf32>
    %dot_general3A_169 = tpu.matmul %convert_element_type3A_20, %add3A_164, %dot_general3A_168 {dimension_numbers = #tpu.dot_dimension_numbers<[1], [0], [0], [1], [0, 0, 1, 1], [], []>, transpose_lhs_hint = false} : vector<64x2000xf32>, vector<2000x128xf32>, vector<64x128xf32> -> vector<64x128xf32>
    %swap3A_170 = arith.constant 0 : index
    %swap3A_171 = arith.constant 0 : index
    %swap3A_172 = arith.constant 0 : index
    %swap3A_173 = vector.load %arg24[%swap3A_170, %swap3A_171, %swap3A_172] : memref<1x64x384xf32, #tpu.memory_space<vmem>>, vector<1x64x128xf32>
    %swap3A_174 = vector.shape_cast %swap3A_173 : vector<1x64x128xf32> to vector<64x128xf32>
    %swap3A_175 = vector.shape_cast %dot_general3A_169 : vector<64x128xf32> to vector<1x64x128xf32>
    tpu.vector_store %arg24[%swap3A_170, %swap3A_171, %swap3A_172], %swap3A_175 {strides = array<i32>} : memref<1x64x384xf32, #tpu.memory_space<vmem>>, vector<1x64x128xf32>,
    %get3A_176 = arith.constant 0 : index
    %get3A_177 = arith.constant 128 : index
    %get3A_178 = vector.load %arg2[%get3A_176, %get3A_177] : memref<2000x384xf32, #tpu.memory_space<vmem>>, vector<2000x128xf32>
    %get3A_179 = arith.constant 0 : index
    %get3A_180 = arith.constant 1 : index
    %get3A_181 = vector.load %arg4[%get3A_179, %get3A_180] : memref<2000x3xf32, #tpu.memory_space<vmem>>, vector<2000x1xf32>
    %mul3A_182 = arith.mulf %slice3A, %get3A_178 : vector<2000x128xf32>
    %mul3A_183 = vector.broadcast %get3A_181 : vector<2000x1xf32> to vector<2000x128xf32>
    %mul3A_184 = arith.mulf %slice3A_64, %mul3A_183 : vector<2000x128xf32>
    %add3A_185 = arith.addf %mul3A_182, %mul3A_184 : vector<2000x128xf32>
    %mul3A_186 = arith.constant 0.0883883461 : f32
    %mul3A_187 = vector.broadcast %mul3A_186 : f32 to vector<2000x128xf32>
    %mul3A_188 = arith.mulf %add3A_185, %mul3A_187 : vector<2000x128xf32>
    %get3A_189 = arith.constant 0 : index
    %get3A_190 = arith.constant 128 : index
    %get3A_191 = vector.load %arg8[%get3A_189, %get3A_190] : memref<64x384xf32, #tpu.memory_space<vmem>>, vector<64x128xf32>
    %dot_general3A_192 = arith.constant dense<0.000000e+00> : vector<64x128xf32>
    %dot_general3A_193 = tpu.matmul %get3A_191, %get3A_140, %dot_general3A_192 {dimension_numbers = #tpu.dot_dimension_numbers<[1], [0], [0], [1], [0, 0, 1, 1], [], []>, transpose_lhs_hint = false} : vector<64x128xf32>, vector<128x128xf32>, vector<64x128xf32> -> vector<64x128xf32>
    %dot_general3A_194 = arith.constant dense<0.000000e+00> : vector<2000x128xf32>
    %dot_general3A_195 = tpu.matmul %mul3A_188, %get3A_140, %dot_general3A_194 {dimension_numbers = #tpu.dot_dimension_numbers<[1], [0], [0], [1], [0, 0, 1, 1], [], []>, transpose_lhs_hint = false} : vector<2000x128xf32>, vector<128x128xf32>, vector<2000x128xf32> -> vector<2000x128xf32>
    %dot_general3A_196 = arith.constant dense<0.000000e+00> : vector<2000x128xf32>
    %dot_general3A_197 = tpu.matmul %convert_element_type3A_14, %dot_general3A_193, %dot_general3A_196 {dimension_numbers = #tpu.dot_dimension_numbers<[1], [0], [0], [1], [0, 0, 1, 1], [], []>, transpose_lhs_hint = false} : vector<2000x64xf32>, vector<64x128xf32>, vector<2000x128xf32> -> vector<2000x128xf32>
    %add3A_198 = arith.addf %dot_general3A_195, %dot_general3A_197 : vector<2000x128xf32>
    %add3A_199 = arith.addf %add3A_198, %mul3A_188 : vector<2000x128xf32>
    %swap3A_200 = arith.constant 0 : index
    %swap3A_201 = arith.constant 128 : index
    %swap3A_202 = vector.load %arg22[%swap3A_200, %swap3A_201] : memref<2000x384xf32, #tpu.memory_space<vmem>>, vector<2000x128xf32>
    tpu.vector_store %arg22[%swap3A_200, %swap3A_201], %add3A_199 {strides = array<i32>} : memref<2000x384xf32, #tpu.memory_space<vmem>>, vector<2000x128xf32>,
    %dot_general3A_203 = arith.constant dense<0.000000e+00> : vector<64x128xf32>
    %dot_general3A_204 = tpu.matmul %convert_element_type3A_20, %add3A_199, %dot_general3A_203 {dimension_numbers = #tpu.dot_dimension_numbers<[1], [0], [0], [1], [0, 0, 1, 1], [], []>, transpose_lhs_hint = false} : vector<64x2000xf32>, vector<2000x128xf32>, vector<64x128xf32> -> vector<64x128xf32>
    %swap3A_205 = arith.constant 0 : index
    %swap3A_206 = arith.constant 0 : index
    %swap3A_207 = arith.constant 128 : index
    %swap3A_208 = vector.load %arg24[%swap3A_205, %swap3A_206, %swap3A_207] : memref<1x64x384xf32, #tpu.memory_space<vmem>>, vector<1x64x128xf32>
    %swap3A_209 = vector.shape_cast %swap3A_208 : vector<1x64x128xf32> to vector<64x128xf32>
    %swap3A_210 = vector.shape_cast %dot_general3A_204 : vector<64x128xf32> to vector<1x64x128xf32>
    tpu.vector_store %arg24[%swap3A_205, %swap3A_206, %swap3A_207], %swap3A_210 {strides = array<i32>} : memref<1x64x384xf32, #tpu.memory_space<vmem>>, vector<1x64x128xf32>,
    %get3A_211 = arith.constant 0 : index
    %get3A_212 = arith.constant 256 : index
    %get3A_213 = vector.load %arg2[%get3A_211, %get3A_212] : memref<2000x384xf32, #tpu.memory_space<vmem>>, vector<2000x128xf32>
    %get3A_214 = arith.constant 0 : index
    %get3A_215 = arith.constant 2 : index
    %get3A_216 = vector.load %arg4[%get3A_214, %get3A_215] : memref<2000x3xf32, #tpu.memory_space<vmem>>, vector<2000x1xf32>
    %mul3A_217 = arith.mulf %slice3A, %get3A_213 : vector<2000x128xf32>
    %mul3A_218 = vector.broadcast %get3A_216 : vector<2000x1xf32> to vector<2000x128xf32>
    %mul3A_219 = arith.mulf %slice3A_64, %mul3A_218 : vector<2000x128xf32>
    %add3A_220 = arith.addf %mul3A_217, %mul3A_219 : vector<2000x128xf32>
    %mul3A_221 = arith.constant 0.0883883461 : f32
    %mul3A_222 = vector.broadcast %mul3A_221 : f32 to vector<2000x128xf32>
    %mul3A_223 = arith.mulf %add3A_220, %mul3A_222 : vector<2000x128xf32>
    %get3A_224 = arith.constant 0 : index
    %get3A_225 = arith.constant 256 : index
    %get3A_226 = vector.load %arg8[%get3A_224, %get3A_225] : memref<64x384xf32, #tpu.memory_space<vmem>>, vector<64x128xf32>
    %dot_general3A_227 = arith.constant dense<0.000000e+00> : vector<64x128xf32>
    %dot_general3A_228 = tpu.matmul %get3A_226, %get3A_140, %dot_general3A_227 {dimension_numbers = #tpu.dot_dimension_numbers<[1], [0], [0], [1], [0, 0, 1, 1], [], []>, transpose_lhs_hint = false} : vector<64x128xf32>, vector<128x128xf32>, vector<64x128xf32> -> vector<64x128xf32>
    %dot_general3A_229 = arith.constant dense<0.000000e+00> : vector<2000x128xf32>
    %dot_general3A_230 = tpu.matmul %mul3A_223, %get3A_140, %dot_general3A_229 {dimension_numbers = #tpu.dot_dimension_numbers<[1], [0], [0], [1], [0, 0, 1, 1], [], []>, transpose_lhs_hint = false} : vector<2000x128xf32>, vector<128x128xf32>, vector<2000x128xf32> -> vector<2000x128xf32>
    %dot_general3A_231 = arith.constant dense<0.000000e+00> : vector<2000x128xf32>
    %dot_general3A_232 = tpu.matmul %convert_element_type3A_14, %dot_general3A_228, %dot_general3A_231 {dimension_numbers = #tpu.dot_dimension_numbers<[1], [0], [0], [1], [0, 0, 1, 1], [], []>, transpose_lhs_hint = false} : vector<2000x64xf32>, vector<64x128xf32>, vector<2000x128xf32> -> vector<2000x128xf32>
    %add3A_233 = arith.addf %dot_general3A_230, %dot_general3A_232 : vector<2000x128xf32>
    %add3A_234 = arith.addf %add3A_233, %mul3A_223 : vector<2000x128xf32>
    %swap3A_235 = arith.constant 0 : index
    %swap3A_236 = arith.constant 256 : index
    %swap3A_237 = vector.load %arg22[%swap3A_235, %swap3A_236] : memref<2000x384xf32, #tpu.memory_space<vmem>>, vector<2000x128xf32>
    tpu.vector_store %arg22[%swap3A_235, %swap3A_236], %add3A_234 {strides = array<i32>} : memref<2000x384xf32, #tpu.memory_space<vmem>>, vector<2000x128xf32>,
    %dot_general3A_238 = arith.constant dense<0.000000e+00> : vector<64x128xf32>
    %dot_general3A_239 = tpu.matmul %convert_element_type3A_20, %add3A_234, %dot_general3A_238 {dimension_numbers = #tpu.dot_dimension_numbers<[1], [0], [0], [1], [0, 0, 1, 1], [], []>, transpose_lhs_hint = false} : vector<64x2000xf32>, vector<2000x128xf32>, vector<64x128xf32> -> vector<64x128xf32>
    %swap3A_240 = arith.constant 0 : index
    %swap3A_241 = arith.constant 0 : index
    %swap3A_242 = arith.constant 256 : index
    %swap3A_243 = vector.load %arg24[%swap3A_240, %swap3A_241, %swap3A_242] : memref<1x64x384xf32, #tpu.memory_space<vmem>>, vector<1x64x128xf32>
    %swap3A_244 = vector.shape_cast %swap3A_243 : vector<1x64x128xf32> to vector<64x128xf32>
    %swap3A_245 = vector.shape_cast %dot_general3A_239 : vector<64x128xf32> to vector<1x64x128xf32>
    tpu.vector_store %arg24[%swap3A_240, %swap3A_241, %swap3A_242], %swap3A_245 {strides = array<i32>} : memref<1x64x384xf32, #tpu.memory_space<vmem>>, vector<1x64x128xf32>,
    return
  }
  func.func @transform_0(%arg0: i32) -> (i32, i32) {
    %c0_i32 = arith.constant 0 : i32
    %c0_i32_0 = arith.constant 0 : i32
    return %arg0, %c0_i32 : i32, i32
  }
  func.func @transform_1(%arg0: i32) -> (i32, i32) {
    %c0_i32 = arith.constant 0 : i32
    %c0_i32_0 = arith.constant 0 : i32
    return %arg0, %c0_i32 : i32, i32
  }
  func.func @transform_2(%arg0: i32) -> (i32, i32) {
    %c0_i32 = arith.constant 0 : i32
    %c0_i32_0 = arith.constant 0 : i32
    return %arg0, %c0_i32 : i32, i32
  }
  func.func @transform_3(%arg0: i32) -> (i32, i32) {
    %c0_i32 = arith.constant 0 : i32
    %c0_i32_0 = arith.constant 0 : i32
    return %arg0, %c0_i32 : i32, i32
  }
  func.func @transform_4(%arg0: i32) -> (i32, i32, i32) {
    %c0_i32 = arith.constant 0 : i32
    %c0_i32_0 = arith.constant 0 : i32
    %c0_i32_1 = arith.constant 0 : i32
    return %arg0, %c0_i32, %c0_i32_0 : i32, i32, i32
  }
  func.func @transform_5(%arg0: i32) -> (i32, i32, i32) {
    %c0_i32 = arith.constant 0 : i32
    %c0_i32_0 = arith.constant 0 : i32
    %c0_i32_1 = arith.constant 0 : i32
    return %arg0, %c0_i32, %c0_i32_0 : i32, i32, i32
  }
  func.func @transform_6(%arg0: i32) -> (i32, i32) {
    %c0_i32 = arith.constant 0 : i32
    %c0_i32_0 = arith.constant 0 : i32
    %c0_i32_1 = arith.constant 0 : i32
    return %c0_i32, %c0_i32_0 : i32, i32
  }
  func.func @transform_7(%arg0: i32) -> (i32, i32) {
    %c0_i32 = arith.constant 0 : i32
    %c0_i32_0 = arith.constant 0 : i32
    %c0_i32_1 = arith.constant 0 : i32
    return %c0_i32, %c0_i32_0 : i32, i32
  }
  func.func @transform_8(%arg0: i32) -> (i32, i32) {
    %c0_i32 = arith.constant 0 : i32
    %c0_i32_0 = arith.constant 0 : i32
    %c0_i32_1 = arith.constant 0 : i32
    return %c0_i32, %c0_i32_0 : i32, i32
  }
  func.func @transform_9(%arg0: i32) -> (i32, i32) {
    %c0_i32 = arith.constant 0 : i32
    %c0_i32_0 = arith.constant 0 : i32
    %c0_i32_1 = arith.constant 0 : i32
    return %c0_i32, %c0_i32_0 : i32, i32
  }
  func.func @transform_10(%arg0: i32) -> (i32, i32) {
    %c0_i32 = arith.constant 0 : i32
    %c0_i32_0 = arith.constant 0 : i32
    %c0_i32_1 = arith.constant 0 : i32
    return %c0_i32, %c0_i32_0 : i32, i32
  }
  func.func @transform_11(%arg0: i32) -> (i32, i32) {
    %c0_i32 = arith.constant 0 : i32
    %c0_i32_0 = arith.constant 0 : i32
    %c0_i32_1 = arith.constant 0 : i32
    return %c0_i32, %c0_i32_0 : i32, i32
  }
  func.func @transform_12(%arg0: i32) -> (i32, i32) {
    %c0_i32 = arith.constant 0 : i32
    %c0_i32_0 = arith.constant 0 : i32
    %c0_i32_1 = arith.constant 0 : i32
    return %c0_i32, %c0_i32_0 : i32, i32
  }
  func.func @transform_13(%arg0: i32) -> (i32, i32) {
    %c0_i32 = arith.constant 0 : i32
    %c0_i32_0 = arith.constant 0 : i32
    %c0_i32_1 = arith.constant 0 : i32
    return %c0_i32, %c0_i32_0 : i32, i32
  }
  func.func @transform_14(%arg0: i32) -> (i32, i32) {
    %c0_i32 = arith.constant 0 : i32
    %c0_i32_0 = arith.constant 0 : i32
    %c0_i32_1 = arith.constant 0 : i32
    return %c0_i32, %c0_i32_0 : i32, i32
  }
  func.func @transform_15(%arg0: i32) -> (i32, i32) {
    %c0_i32 = arith.constant 0 : i32
    %c0_i32_0 = arith.constant 0 : i32
    %c0_i32_1 = arith.constant 0 : i32
    return %c0_i32, %c0_i32_0 : i32, i32
  }
  func.func @transform_16(%arg0: i32) -> (i32, i32) {
    %c0_i32 = arith.constant 0 : i32
    %c0_i32_0 = arith.constant 0 : i32
    %c0_i32_1 = arith.constant 0 : i32
    return %c0_i32, %c0_i32_0 : i32, i32
  }
  func.func @transform_17(%arg0: i32) -> (i32, i32) {
    %c0_i32 = arith.constant 0 : i32
    %c0_i32_0 = arith.constant 0 : i32
    %c0_i32_1 = arith.constant 0 : i32
    return %c0_i32, %c0_i32_0 : i32, i32
  }
  func.func @transform_18(%arg0: i32) -> (i32, i32) {
    %c0_i32 = arith.constant 0 : i32
    %c0_i32_0 = arith.constant 0 : i32
    %c0_i32_1 = arith.constant 0 : i32
    return %c0_i32, %c0_i32_0 : i32, i32
  }
  func.func @transform_19(%arg0: i32) -> (i32, i32) {
    %c0_i32 = arith.constant 0 : i32
    %c0_i32_0 = arith.constant 0 : i32
    %c0_i32_1 = arith.constant 0 : i32
    return %c0_i32, %c0_i32_0 : i32, i32
  }
  func.func @transform_20(%arg0: i32) -> (i32, i32) {
    %c0_i32 = arith.constant 0 : i32
    %c0_i32_0 = arith.constant 0 : i32
    return %arg0, %c0_i32 : i32, i32
  }
  func.func @transform_21(%arg0: i32) -> (i32, i32) {
    %c0_i32 = arith.constant 0 : i32
    %c0_i32_0 = arith.constant 0 : i32
    return %arg0, %c0_i32 : i32, i32
  }
  func.func @transform_22(%arg0: i32) -> (i32, i32, i32) {
    %c0_i32 = arith.constant 0 : i32
    %c0_i32_0 = arith.constant 0 : i32
    %c0_i32_1 = arith.constant 0 : i32
    return %arg0, %c0_i32, %c0_i32_0 : i32, i32, i32
  }
  func.func @transform_23(%arg0: i32) -> (i32, i32, i32) {
    %c0_i32 = arith.constant 0 : i32
    %c0_i32_0 = arith.constant 0 : i32
    %c0_i32_1 = arith.constant 0 : i32
    return %arg0, %c0_i32, %c0_i32_0 : i32, i32, i32
  }
  func.func @transform_24(%arg0: i32) -> (i32, i32, i32) {
    %c0_i32 = arith.constant 0 : i32
    %c0_i32_0 = arith.constant 0 : i32
    %c0_i32_1 = arith.constant 0 : i32
    return %arg0, %c0_i32, %c0_i32_0 : i32, i32, i32
  }
}

module attributes {stable_mosaic.version = 14 : i64} {
  func.func @_graph_body(%arg0: memref<50x64x128xf32, #tpu.memory_space<vmem>>, %arg1: memref<50x64x384xf32, #tpu.memory_space<vmem>>, %arg2: memref<50x64x8xf32, #tpu.memory_space<vmem>>, %arg3: memref<64x128xf32, #tpu.memory_space<vmem>>, %arg4: memref<64x3x128xf32, #tpu.memory_space<vmem>>, %arg5: memref<128x128xf32, #tpu.memory_space<vmem>>, %arg6: memref<128x128xf32, #tpu.memory_space<vmem>>, %arg7: memref<1x128xf32, #tpu.memory_space<vmem>>, %arg8: memref<128x128xf32, #tpu.memory_space<vmem>>, %arg9: memref<1x128xf32, #tpu.memory_space<vmem>>, %arg10: memref<128x128xf32, #tpu.memory_space<vmem>>, %arg11: memref<128x256xf32, #tpu.memory_space<vmem>>, %arg12: memref<128x128xf32, #tpu.memory_space<vmem>>, %arg13: memref<128x128xf32, #tpu.memory_space<vmem>>, %arg14: memref<1x128xf32, #tpu.memory_space<vmem>>, %arg15: memref<128x384xf32, #tpu.memory_space<vmem>>, %arg16: memref<1x384xf32, #tpu.memory_space<vmem>>, %arg17: memref<128x1xf32, #tpu.memory_space<vmem>>, %arg18: memref<64x128xf32, #tpu.memory_space<vmem>>, %arg19: memref<64x3x128xf32, #tpu.memory_space<vmem>>, %arg20: memref<64x3x1xf32, #tpu.memory_space<vmem>>) attributes {dimension_semantics = [], scalar_prefetch = 0 : i64, scratch_operands = 0 : i64, tpu.core_type = #tpu.core_type<tc>} {
    %get3A = arith.constant 0 : index
    %get3A_0 = arith.constant 0 : index
    %get3A_1 = arith.constant 0 : index
    %get3A_2 = vector.load %arg0[%get3A, %get3A_0, %get3A_1] : memref<50x64x128xf32, #tpu.memory_space<vmem>>, vector<50x64x128xf32>
    %reduce_sum3A = arith.constant dense<0.000000e+00> : vector<64x128xf32>
    %reduce_sum3A_3 = vector.multi_reduction <add>, %get3A_2, %reduce_sum3A [0] : vector<50x64x128xf32> to vector<64x128xf32>
    %get3A_4 = arith.constant 0 : index
    %get3A_5 = arith.constant 0 : index
    %get3A_6 = arith.constant 0 : index
    %get3A_7 = vector.load %arg1[%get3A_4, %get3A_5, %get3A_6] : memref<50x64x384xf32, #tpu.memory_space<vmem>>, vector<50x64x384xf32>
    %reduce_sum3A_8 = arith.constant dense<0.000000e+00> : vector<64x384xf32>
    %reduce_sum3A_9 = vector.multi_reduction <add>, %get3A_7, %reduce_sum3A_8 [0] : vector<50x64x384xf32> to vector<64x384xf32>
    %get3A_10 = arith.constant 0 : index
    %get3A_11 = arith.constant 0 : index
    %get3A_12 = arith.constant 0 : index
    %get3A_13 = vector.load %arg2[%get3A_10, %get3A_11, %get3A_12] : memref<50x64x8xf32, #tpu.memory_space<vmem>>, vector<50x64x8xf32>
    %reduce_sum3A_14 = arith.constant dense<0.000000e+00> : vector<64x8xf32>
    %reduce_sum3A_15 = vector.multi_reduction <add>, %get3A_13, %reduce_sum3A_14 [0] : vector<50x64x8xf32> to vector<64x8xf32>
    %slice3A = vector.extract_strided_slice %reduce_sum3A_15 {offsets = [0, 0], sizes = [64, 1], strides = [1, 1]} : vector<64x8xf32> to vector<64x1xf32>
    %max3A = arith.constant 1.000000e+00 : f32
    %max3A_16 = vector.broadcast %max3A : f32 to vector<64x1xf32>
    %max3A_17 = arith.maximumf %slice3A, %max3A_16 : vector<64x1xf32>
    %div3A = arith.constant 1.000000e+00 : f32
    %div3A_18 = vector.broadcast %div3A : f32 to vector<64x1xf32>
    %div3A_19 = arith.divf %div3A_18, %max3A_17 : vector<64x1xf32>
    %get3A_20 = arith.constant 0 : index
    %get3A_21 = arith.constant 0 : index
    %get3A_22 = vector.load %arg3[%get3A_20, %get3A_21] : memref<64x128xf32, #tpu.memory_space<vmem>>, vector<64x128xf32>
    %mul3A = vector.broadcast %div3A_19 : vector<64x1xf32> to vector<64x128xf32>
    %mul3A_23 = arith.mulf %reduce_sum3A_3, %mul3A : vector<64x128xf32>
    %get3A_24 = arith.constant 0 : index
    %get3A_25 = arith.constant 0 : index
    %get3A_26 = vector.load %arg5[%get3A_24, %get3A_25] : memref<128x128xf32, #tpu.memory_space<vmem>>, vector<128x128xf32>
    %dot_general3A = arith.constant dense<0.000000e+00> : vector<64x128xf32>
    %dot_general3A_27 = tpu.matmul %mul3A_23, %get3A_26, %dot_general3A {dimension_numbers = #tpu.dot_dimension_numbers<[1], [0], [0], [1], [0, 0, 1, 1], [], []>, transpose_lhs_hint = false} : vector<64x128xf32>, vector<128x128xf32>, vector<64x128xf32> -> vector<64x128xf32>
    %get3A_28 = arith.constant 0 : index
    %get3A_29 = arith.constant 0 : index
    %get3A_30 = vector.load %arg6[%get3A_28, %get3A_29] : memref<128x128xf32, #tpu.memory_space<vmem>>, vector<128x128xf32>
    %dot_general3A_31 = arith.constant dense<0.000000e+00> : vector<64x128xf32>
    %dot_general3A_32 = tpu.matmul %get3A_22, %get3A_30, %dot_general3A_31 {dimension_numbers = #tpu.dot_dimension_numbers<[1], [0], [0], [1], [0, 0, 1, 1], [], []>, transpose_lhs_hint = false} : vector<64x128xf32>, vector<128x128xf32>, vector<64x128xf32> -> vector<64x128xf32>
    %add3A = arith.addf %dot_general3A_27, %dot_general3A_32 : vector<64x128xf32>
    %get3A_33 = arith.constant 0 : index
    %get3A_34 = arith.constant 0 : index
    %get3A_35 = vector.load %arg7[%get3A_33, %get3A_34] : memref<1x128xf32, #tpu.memory_space<vmem>>, vector<1x128xf32>
    %add3A_36 = vector.broadcast %get3A_35 : vector<1x128xf32> to vector<64x128xf32>
    %add3A_37 = arith.addf %add3A, %add3A_36 : vector<64x128xf32>
    %logistic3A = arith.negf %add3A_37 : vector<64x128xf32>
    %logistic3A_38 = math.exp %logistic3A : vector<64x128xf32>
    %logistic3A_39 = arith.constant 1.000000e+00 : f32
    %logistic3A_40 = vector.broadcast %logistic3A_39 : f32 to vector<64x128xf32>
    %logistic3A_41 = arith.addf %logistic3A_40, %logistic3A_38 : vector<64x128xf32>
    %logistic3A_42 = arith.divf %logistic3A_40, %logistic3A_41 : vector<64x128xf32>
    %mul3A_43 = arith.mulf %add3A_37, %logistic3A_42 : vector<64x128xf32>
    %mul3A_44 = arith.constant 1.66666663 : f32
    %mul3A_45 = vector.broadcast %mul3A_44 : f32 to vector<64x128xf32>
    %mul3A_46 = arith.mulf %mul3A_43, %mul3A_45 : vector<64x128xf32>
    %get3A_47 = arith.constant 0 : index
    %get3A_48 = arith.constant 0 : index
    %get3A_49 = vector.load %arg8[%get3A_47, %get3A_48] : memref<128x128xf32, #tpu.memory_space<vmem>>, vector<128x128xf32>
    %dot_general3A_50 = arith.constant dense<0.000000e+00> : vector<64x128xf32>
    %dot_general3A_51 = tpu.matmul %mul3A_46, %get3A_49, %dot_general3A_50 {dimension_numbers = #tpu.dot_dimension_numbers<[1], [0], [0], [1], [0, 0, 1, 1], [], []>, transpose_lhs_hint = false} : vector<64x128xf32>, vector<128x128xf32>, vector<64x128xf32> -> vector<64x128xf32>
    %get3A_52 = arith.constant 0 : index
    %get3A_53 = arith.constant 0 : index
    %get3A_54 = vector.load %arg9[%get3A_52, %get3A_53] : memref<1x128xf32, #tpu.memory_space<vmem>>, vector<1x128xf32>
    %add3A_55 = vector.broadcast %get3A_54 : vector<1x128xf32> to vector<64x128xf32>
    %add3A_56 = arith.addf %dot_general3A_51, %add3A_55 : vector<64x128xf32>
    %logistic3A_57 = arith.negf %add3A_56 : vector<64x128xf32>
    %logistic3A_58 = math.exp %logistic3A_57 : vector<64x128xf32>
    %logistic3A_59 = arith.constant 1.000000e+00 : f32
    %logistic3A_60 = vector.broadcast %logistic3A_59 : f32 to vector<64x128xf32>
    %logistic3A_61 = arith.addf %logistic3A_60, %logistic3A_58 : vector<64x128xf32>
    %logistic3A_62 = arith.divf %logistic3A_60, %logistic3A_61 : vector<64x128xf32>
    %mul3A_63 = arith.mulf %add3A_56, %logistic3A_62 : vector<64x128xf32>
    %mul3A_64 = arith.constant 1.66666663 : f32
    %mul3A_65 = vector.broadcast %mul3A_64 : f32 to vector<64x128xf32>
    %mul3A_66 = arith.mulf %mul3A_63, %mul3A_65 : vector<64x128xf32>
    %add3A_67 = arith.addf %get3A_22, %mul3A_66 : vector<64x128xf32>
    %get3A_68 = arith.constant 0 : index
    %get3A_69 = arith.constant 0 : index
    %get3A_70 = vector.load %arg10[%get3A_68, %get3A_69] : memref<128x128xf32, #tpu.memory_space<vmem>>, vector<128x128xf32>
    %get3A_71 = arith.constant 0 : index
    %get3A_72 = arith.constant 0 : index
    %get3A_73 = vector.load %arg11[%get3A_71, %get3A_72] : memref<128x256xf32, #tpu.memory_space<vmem>>, vector<128x256xf32>
    %broadcast_in_dim3A = arith.constant 0.000000e+00 : f32
    %broadcast_in_dim3A_74 = vector.broadcast %broadcast_in_dim3A : f32 to vector<64x128xf32>
    %get3A_75 = arith.constant 0 : index
    %get3A_76 = arith.constant 0 : index
    %get3A_77 = arith.constant 0 : index
    %get3A_78 = vector.load %arg4[%get3A_75, %get3A_76, %get3A_77] : memref<64x3x128xf32, #tpu.memory_space<vmem>>, vector<64x1x128xf32>
    %get3A_79 = vector.shape_cast %get3A_78 : vector<64x1x128xf32> to vector<64x128xf32>
    %slice3A_80 = vector.extract_strided_slice %reduce_sum3A_9 {offsets = [0, 0], sizes = [64, 128], strides = [1, 1]} : vector<64x384xf32> to vector<64x128xf32>
    %mul3A_81 = vector.broadcast %div3A_19 : vector<64x1xf32> to vector<64x128xf32>
    %mul3A_82 = arith.mulf %slice3A_80, %mul3A_81 : vector<64x128xf32>
    %add3A_83 = arith.addf %mul3A_82, %get3A_79 : vector<64x128xf32>
    %dot_general3A_84 = arith.constant dense<0.000000e+00> : vector<64x128xf32>
    %dot_general3A_85 = tpu.matmul %add3A_83, %get3A_70, %dot_general3A_84 {dimension_numbers = #tpu.dot_dimension_numbers<[1], [0], [0], [1], [0, 0, 1, 1], [], []>, transpose_lhs_hint = false} : vector<64x128xf32>, vector<128x128xf32>, vector<64x128xf32> -> vector<64x128xf32>
    %add3A_86 = arith.addf %get3A_79, %dot_general3A_85 : vector<64x128xf32>
    %dot_general3A_87 = arith.constant dense<0.000000e+00> : vector<64x256xf32>
    %dot_general3A_88 = tpu.matmul %add3A_86, %get3A_73, %dot_general3A_87 {dimension_numbers = #tpu.dot_dimension_numbers<[1], [0], [0], [1], [0, 0, 1, 1], [], []>, transpose_lhs_hint = false} : vector<64x128xf32>, vector<128x256xf32>, vector<64x256xf32> -> vector<64x256xf32>
    %slice3A_89 = vector.extract_strided_slice %dot_general3A_88 {offsets = [0, 0], sizes = [64, 128], strides = [1, 1]} : vector<64x256xf32> to vector<64x128xf32>
    %slice3A_90 = vector.extract_strided_slice %dot_general3A_88 {offsets = [0, 128], sizes = [64, 128], strides = [1, 1]} : vector<64x256xf32> to vector<64x128xf32>
    %slice3A_91 = vector.extract_strided_slice %dot_general3A_88 {offsets = [0, 128], sizes = [64, 128], strides = [1, 1]} : vector<64x256xf32> to vector<64x128xf32>
    %mul3A_92 = arith.mulf %slice3A_90, %slice3A_91 : vector<64x128xf32>
    %add3A_93 = arith.addf %broadcast_in_dim3A_74, %mul3A_92 : vector<64x128xf32>
    %get3A_94 = arith.constant 0 : index
    %get3A_95 = arith.constant 1 : index
    %get3A_96 = arith.constant 0 : index
    %get3A_97 = vector.load %arg4[%get3A_94, %get3A_95, %get3A_96] : memref<64x3x128xf32, #tpu.memory_space<vmem>>, vector<64x1x128xf32>
    %get3A_98 = vector.shape_cast %get3A_97 : vector<64x1x128xf32> to vector<64x128xf32>
    %slice3A_99 = vector.extract_strided_slice %reduce_sum3A_9 {offsets = [0, 128], sizes = [64, 128], strides = [1, 1]} : vector<64x384xf32> to vector<64x128xf32>
    %mul3A_100 = vector.broadcast %div3A_19 : vector<64x1xf32> to vector<64x128xf32>
    %mul3A_101 = arith.mulf %slice3A_99, %mul3A_100 : vector<64x128xf32>
    %add3A_102 = arith.addf %mul3A_101, %get3A_98 : vector<64x128xf32>
    %dot_general3A_103 = arith.constant dense<0.000000e+00> : vector<64x128xf32>
    %dot_general3A_104 = tpu.matmul %add3A_102, %get3A_70, %dot_general3A_103 {dimension_numbers = #tpu.dot_dimension_numbers<[1], [0], [0], [1], [0, 0, 1, 1], [], []>, transpose_lhs_hint = false} : vector<64x128xf32>, vector<128x128xf32>, vector<64x128xf32> -> vector<64x128xf32>
    %add3A_105 = arith.addf %get3A_98, %dot_general3A_104 : vector<64x128xf32>
    %dot_general3A_106 = arith.constant dense<0.000000e+00> : vector<64x256xf32>
    %dot_general3A_107 = tpu.matmul %add3A_105, %get3A_73, %dot_general3A_106 {dimension_numbers = #tpu.dot_dimension_numbers<[1], [0], [0], [1], [0, 0, 1, 1], [], []>, transpose_lhs_hint = false} : vector<64x128xf32>, vector<128x256xf32>, vector<64x256xf32> -> vector<64x256xf32>
    %slice3A_108 = vector.extract_strided_slice %dot_general3A_107 {offsets = [0, 0], sizes = [64, 128], strides = [1, 1]} : vector<64x256xf32> to vector<64x128xf32>
    %slice3A_109 = vector.extract_strided_slice %dot_general3A_107 {offsets = [0, 128], sizes = [64, 128], strides = [1, 1]} : vector<64x256xf32> to vector<64x128xf32>
    %slice3A_110 = vector.extract_strided_slice %dot_general3A_107 {offsets = [0, 128], sizes = [64, 128], strides = [1, 1]} : vector<64x256xf32> to vector<64x128xf32>
    %mul3A_111 = arith.mulf %slice3A_109, %slice3A_110 : vector<64x128xf32>
    %add3A_112 = arith.addf %add3A_93, %mul3A_111 : vector<64x128xf32>
    %get3A_113 = arith.constant 0 : index
    %get3A_114 = arith.constant 2 : index
    %get3A_115 = arith.constant 0 : index
    %get3A_116 = vector.load %arg4[%get3A_113, %get3A_114, %get3A_115] : memref<64x3x128xf32, #tpu.memory_space<vmem>>, vector<64x1x128xf32>
    %get3A_117 = vector.shape_cast %get3A_116 : vector<64x1x128xf32> to vector<64x128xf32>
    %slice3A_118 = vector.extract_strided_slice %reduce_sum3A_9 {offsets = [0, 256], sizes = [64, 128], strides = [1, 1]} : vector<64x384xf32> to vector<64x128xf32>
    %mul3A_119 = vector.broadcast %div3A_19 : vector<64x1xf32> to vector<64x128xf32>
    %mul3A_120 = arith.mulf %slice3A_118, %mul3A_119 : vector<64x128xf32>
    %add3A_121 = arith.addf %mul3A_120, %get3A_117 : vector<64x128xf32>
    %dot_general3A_122 = arith.constant dense<0.000000e+00> : vector<64x128xf32>
    %dot_general3A_123 = tpu.matmul %add3A_121, %get3A_70, %dot_general3A_122 {dimension_numbers = #tpu.dot_dimension_numbers<[1], [0], [0], [1], [0, 0, 1, 1], [], []>, transpose_lhs_hint = false} : vector<64x128xf32>, vector<128x128xf32>, vector<64x128xf32> -> vector<64x128xf32>
    %add3A_124 = arith.addf %get3A_117, %dot_general3A_123 : vector<64x128xf32>
    %dot_general3A_125 = arith.constant dense<0.000000e+00> : vector<64x256xf32>
    %dot_general3A_126 = tpu.matmul %add3A_124, %get3A_73, %dot_general3A_125 {dimension_numbers = #tpu.dot_dimension_numbers<[1], [0], [0], [1], [0, 0, 1, 1], [], []>, transpose_lhs_hint = false} : vector<64x128xf32>, vector<128x256xf32>, vector<64x256xf32> -> vector<64x256xf32>
    %slice3A_127 = vector.extract_strided_slice %dot_general3A_126 {offsets = [0, 0], sizes = [64, 128], strides = [1, 1]} : vector<64x256xf32> to vector<64x128xf32>
    %slice3A_128 = vector.extract_strided_slice %dot_general3A_126 {offsets = [0, 128], sizes = [64, 128], strides = [1, 1]} : vector<64x256xf32> to vector<64x128xf32>
    %slice3A_129 = vector.extract_strided_slice %dot_general3A_126 {offsets = [0, 128], sizes = [64, 128], strides = [1, 1]} : vector<64x256xf32> to vector<64x128xf32>
    %mul3A_130 = arith.mulf %slice3A_128, %slice3A_129 : vector<64x128xf32>
    %add3A_131 = arith.addf %add3A_112, %mul3A_130 : vector<64x128xf32>
    %add3A_132 = arith.constant 9.99999993E-9 : f32
    %add3A_133 = vector.broadcast %add3A_132 : f32 to vector<64x128xf32>
    %add3A_134 = arith.addf %add3A_131, %add3A_133 : vector<64x128xf32>
    %sqrt3A = math.sqrt %add3A_134 : vector<64x128xf32>
    %get3A_135 = arith.constant 0 : index
    %get3A_136 = arith.constant 0 : index
    %get3A_137 = vector.load %arg12[%get3A_135, %get3A_136] : memref<128x128xf32, #tpu.memory_space<vmem>>, vector<128x128xf32>
    %dot_general3A_138 = arith.constant dense<0.000000e+00> : vector<64x128xf32>
    %dot_general3A_139 = tpu.matmul %add3A_67, %get3A_137, %dot_general3A_138 {dimension_numbers = #tpu.dot_dimension_numbers<[1], [0], [0], [1], [0, 0, 1, 1], [], []>, transpose_lhs_hint = false} : vector<64x128xf32>, vector<128x128xf32>, vector<64x128xf32> -> vector<64x128xf32>
    %get3A_140 = arith.constant 0 : index
    %get3A_141 = arith.constant 0 : index
    %get3A_142 = vector.load %arg13[%get3A_140, %get3A_141] : memref<128x128xf32, #tpu.memory_space<vmem>>, vector<128x128xf32>
    %dot_general3A_143 = arith.constant dense<0.000000e+00> : vector<64x128xf32>
    %dot_general3A_144 = tpu.matmul %sqrt3A, %get3A_142, %dot_general3A_143 {dimension_numbers = #tpu.dot_dimension_numbers<[1], [0], [0], [1], [0, 0, 1, 1], [], []>, transpose_lhs_hint = false} : vector<64x128xf32>, vector<128x128xf32>, vector<64x128xf32> -> vector<64x128xf32>
    %add3A_145 = arith.addf %dot_general3A_139, %dot_general3A_144 : vector<64x128xf32>
    %get3A_146 = arith.constant 0 : index
    %get3A_147 = arith.constant 0 : index
    %get3A_148 = vector.load %arg14[%get3A_146, %get3A_147] : memref<1x128xf32, #tpu.memory_space<vmem>>, vector<1x128xf32>
    %add3A_149 = vector.broadcast %get3A_148 : vector<1x128xf32> to vector<64x128xf32>
    %add3A_150 = arith.addf %add3A_145, %add3A_149 : vector<64x128xf32>
    %logistic3A_151 = arith.negf %add3A_150 : vector<64x128xf32>
    %logistic3A_152 = math.exp %logistic3A_151 : vector<64x128xf32>
    %logistic3A_153 = arith.constant 1.000000e+00 : f32
    %logistic3A_154 = vector.broadcast %logistic3A_153 : f32 to vector<64x128xf32>
    %logistic3A_155 = arith.addf %logistic3A_154, %logistic3A_152 : vector<64x128xf32>
    %logistic3A_156 = arith.divf %logistic3A_154, %logistic3A_155 : vector<64x128xf32>
    %mul3A_157 = arith.mulf %add3A_150, %logistic3A_156 : vector<64x128xf32>
    %mul3A_158 = arith.constant 1.66666663 : f32
    %mul3A_159 = vector.broadcast %mul3A_158 : f32 to vector<64x128xf32>
    %mul3A_160 = arith.mulf %mul3A_157, %mul3A_159 : vector<64x128xf32>
    %get3A_161 = arith.constant 0 : index
    %get3A_162 = arith.constant 0 : index
    %get3A_163 = vector.load %arg15[%get3A_161, %get3A_162] : memref<128x384xf32, #tpu.memory_space<vmem>>, vector<128x384xf32>
    %dot_general3A_164 = arith.constant dense<0.000000e+00> : vector<64x384xf32>
    %dot_general3A_165 = tpu.matmul %mul3A_160, %get3A_163, %dot_general3A_164 {dimension_numbers = #tpu.dot_dimension_numbers<[1], [0], [0], [1], [0, 0, 1, 1], [], []>, transpose_lhs_hint = false} : vector<64x128xf32>, vector<128x384xf32>, vector<64x384xf32> -> vector<64x384xf32>
    %get3A_166 = arith.constant 0 : index
    %get3A_167 = arith.constant 0 : index
    %get3A_168 = vector.load %arg16[%get3A_166, %get3A_167] : memref<1x384xf32, #tpu.memory_space<vmem>>, vector<1x384xf32>
    %add3A_169 = vector.broadcast %get3A_168 : vector<1x384xf32> to vector<64x384xf32>
    %add3A_170 = arith.addf %dot_general3A_165, %add3A_169 : vector<64x384xf32>
    %slice3A_171 = vector.extract_strided_slice %add3A_170 {offsets = [0, 0], sizes = [64, 128], strides = [1, 1]} : vector<64x384xf32> to vector<64x128xf32>
    %slice3A_172 = vector.extract_strided_slice %add3A_170 {offsets = [0, 128], sizes = [64, 128], strides = [1, 1]} : vector<64x384xf32> to vector<64x128xf32>
    %slice3A_173 = vector.extract_strided_slice %add3A_170 {offsets = [0, 256], sizes = [64, 128], strides = [1, 1]} : vector<64x384xf32> to vector<64x128xf32>
    %tanh3A = math.tanh %slice3A_173 : vector<64x128xf32>
    %mul3A_174 = arith.mulf %add3A_67, %tanh3A : vector<64x128xf32>
    %add3A_175 = arith.addf %slice3A_172, %mul3A_174 : vector<64x128xf32>
    %swap3A = arith.constant 0 : index
    %swap3A_176 = arith.constant 0 : index
    %swap3A_177 = vector.load %arg18[%swap3A, %swap3A_176] : memref<64x128xf32, #tpu.memory_space<vmem>>, vector<64x128xf32>
    tpu.vector_store %arg18[%swap3A, %swap3A_176], %add3A_175 {strides = array<i32>} : memref<64x128xf32, #tpu.memory_space<vmem>>, vector<64x128xf32>,
    %get3A_178 = arith.constant 0 : index
    %get3A_179 = arith.constant 0 : index
    %get3A_180 = vector.load %arg17[%get3A_178, %get3A_179] : memref<128x1xf32, #tpu.memory_space<vmem>>, vector<128x1xf32>
    %mul3A_181 = arith.mulf %slice3A_171, %slice3A_89 : vector<64x128xf32>
    %add3A_182 = arith.addf %mul3A_181, %add3A_86 : vector<64x128xf32>
    %swap3A_183 = arith.constant 0 : index
    %swap3A_184 = arith.constant 0 : index
    %swap3A_185 = arith.constant 0 : index
    %swap3A_186 = vector.load %arg19[%swap3A_183, %swap3A_184, %swap3A_185] : memref<64x3x128xf32, #tpu.memory_space<vmem>>, vector<64x1x128xf32>
    %swap3A_187 = vector.shape_cast %swap3A_186 : vector<64x1x128xf32> to vector<64x128xf32>
    %swap3A_188 = vector.shape_cast %add3A_182 : vector<64x128xf32> to vector<64x1x128xf32>
    tpu.vector_store %arg19[%swap3A_183, %swap3A_184, %swap3A_185], %swap3A_188 {strides = array<i32>} : memref<64x3x128xf32, #tpu.memory_space<vmem>>, vector<64x1x128xf32>,
    %dot_general3A_189 = arith.constant dense<0.000000e+00> : vector<64x1xf32>
    %dot_general3A_190 = tpu.matmul %add3A_182, %get3A_180, %dot_general3A_189 {dimension_numbers = #tpu.dot_dimension_numbers<[1], [0], [0], [1], [0, 0, 1, 1], [], []>, transpose_lhs_hint = false} : vector<64x128xf32>, vector<128x1xf32>, vector<64x1xf32> -> vector<64x1xf32>
    %swap3A_191 = arith.constant 0 : index
    %swap3A_192 = arith.constant 0 : index
    %swap3A_193 = arith.constant 0 : index
    %swap3A_194 = vector.load %arg20[%swap3A_191, %swap3A_192, %swap3A_193] : memref<64x3x1xf32, #tpu.memory_space<vmem>>, vector<64x1x1xf32>
    %swap3A_195 = vector.shape_cast %swap3A_194 : vector<64x1x1xf32> to vector<64x1xf32>
    %swap3A_196 = vector.shape_cast %dot_general3A_190 : vector<64x1xf32> to vector<64x1x1xf32>
    tpu.vector_store %arg20[%swap3A_191, %swap3A_192, %swap3A_193], %swap3A_196 {strides = array<i32>} : memref<64x3x1xf32, #tpu.memory_space<vmem>>, vector<64x1x1xf32>,
    %mul3A_197 = arith.mulf %slice3A_171, %slice3A_108 : vector<64x128xf32>
    %add3A_198 = arith.addf %mul3A_197, %add3A_105 : vector<64x128xf32>
    %swap3A_199 = arith.constant 0 : index
    %swap3A_200 = arith.constant 1 : index
    %swap3A_201 = arith.constant 0 : index
    %swap3A_202 = vector.load %arg19[%swap3A_199, %swap3A_200, %swap3A_201] : memref<64x3x128xf32, #tpu.memory_space<vmem>>, vector<64x1x128xf32>
    %swap3A_203 = vector.shape_cast %swap3A_202 : vector<64x1x128xf32> to vector<64x128xf32>
    %swap3A_204 = vector.shape_cast %add3A_198 : vector<64x128xf32> to vector<64x1x128xf32>
    tpu.vector_store %arg19[%swap3A_199, %swap3A_200, %swap3A_201], %swap3A_204 {strides = array<i32>} : memref<64x3x128xf32, #tpu.memory_space<vmem>>, vector<64x1x128xf32>,
    %dot_general3A_205 = arith.constant dense<0.000000e+00> : vector<64x1xf32>
    %dot_general3A_206 = tpu.matmul %add3A_198, %get3A_180, %dot_general3A_205 {dimension_numbers = #tpu.dot_dimension_numbers<[1], [0], [0], [1], [0, 0, 1, 1], [], []>, transpose_lhs_hint = false} : vector<64x128xf32>, vector<128x1xf32>, vector<64x1xf32> -> vector<64x1xf32>
    %swap3A_207 = arith.constant 0 : index
    %swap3A_208 = arith.constant 1 : index
    %swap3A_209 = arith.constant 0 : index
    %swap3A_210 = vector.load %arg20[%swap3A_207, %swap3A_208, %swap3A_209] : memref<64x3x1xf32, #tpu.memory_space<vmem>>, vector<64x1x1xf32>
    %swap3A_211 = vector.shape_cast %swap3A_210 : vector<64x1x1xf32> to vector<64x1xf32>
    %swap3A_212 = vector.shape_cast %dot_general3A_206 : vector<64x1xf32> to vector<64x1x1xf32>
    tpu.vector_store %arg20[%swap3A_207, %swap3A_208, %swap3A_209], %swap3A_212 {strides = array<i32>} : memref<64x3x1xf32, #tpu.memory_space<vmem>>, vector<64x1x1xf32>,
    %mul3A_213 = arith.mulf %slice3A_171, %slice3A_127 : vector<64x128xf32>
    %add3A_214 = arith.addf %mul3A_213, %add3A_124 : vector<64x128xf32>
    %swap3A_215 = arith.constant 0 : index
    %swap3A_216 = arith.constant 2 : index
    %swap3A_217 = arith.constant 0 : index
    %swap3A_218 = vector.load %arg19[%swap3A_215, %swap3A_216, %swap3A_217] : memref<64x3x128xf32, #tpu.memory_space<vmem>>, vector<64x1x128xf32>
    %swap3A_219 = vector.shape_cast %swap3A_218 : vector<64x1x128xf32> to vector<64x128xf32>
    %swap3A_220 = vector.shape_cast %add3A_214 : vector<64x128xf32> to vector<64x1x128xf32>
    tpu.vector_store %arg19[%swap3A_215, %swap3A_216, %swap3A_217], %swap3A_220 {strides = array<i32>} : memref<64x3x128xf32, #tpu.memory_space<vmem>>, vector<64x1x128xf32>,
    %dot_general3A_221 = arith.constant dense<0.000000e+00> : vector<64x1xf32>
    %dot_general3A_222 = tpu.matmul %add3A_214, %get3A_180, %dot_general3A_221 {dimension_numbers = #tpu.dot_dimension_numbers<[1], [0], [0], [1], [0, 0, 1, 1], [], []>, transpose_lhs_hint = false} : vector<64x128xf32>, vector<128x1xf32>, vector<64x1xf32> -> vector<64x1xf32>
    %swap3A_223 = arith.constant 0 : index
    %swap3A_224 = arith.constant 2 : index
    %swap3A_225 = arith.constant 0 : index
    %swap3A_226 = vector.load %arg20[%swap3A_223, %swap3A_224, %swap3A_225] : memref<64x3x1xf32, #tpu.memory_space<vmem>>, vector<64x1x1xf32>
    %swap3A_227 = vector.shape_cast %swap3A_226 : vector<64x1x1xf32> to vector<64x1xf32>
    %swap3A_228 = vector.shape_cast %dot_general3A_222 : vector<64x1xf32> to vector<64x1x1xf32>
    tpu.vector_store %arg20[%swap3A_223, %swap3A_224, %swap3A_225], %swap3A_228 {strides = array<i32>} : memref<64x3x1xf32, #tpu.memory_space<vmem>>, vector<64x1x1xf32>,
    return
  }
}

</mosaic_0001>

<sc_bundles>
// kernel: sparse-core-data-format-call.cloned.1.call-start
scs
called_computation_lowered:
.L_overlay_start_0:
0x0: {  	s2 =	sld [smem:$0x3FD9]  }
0x1: {  	s3 =	sld [smem:$0x3FFE];
	_ =	sdelay $0x1  }
0x2: {  	s1 =	srdreg.scid  }
0x3: {  	s0 =	sand.u32 $0x1, s1  }
0x4: {  	s15 =	sshll.u32 s0, $0xA;
	s2 =	sadd.s32 s3, s2  }
0x5: {  	s2 =	sadd.s32 s2, s15  }
0x6: {  	[smem:$0x3FAB] =	sst s2  }
0x7: {  	_ = 	snop  }
0x8: {  	s2 =	sld [smem:$0x3FD0];
	_ =	sdelay $0x2  }
0x9: {  	s16 =	simm.s32 $0xA;
	s4 =	simm.s32 $0x10  }
0xa: {  	[smem:s4], [sflag:s16] =	dma.local [hbm:s2], $0x1  }
0xb: {  	_ =	swait.eq [sflag:s16], $0x1  }
0xc: {  	[sflag:s16] =	ssyncset.done $0x0  }
0xd: {  	[sflag:s16] =	ssyncadd.s32 $0xFFFFFFFF  }
0xe: {  	s17 =	sld [smem:$0x11];
	(tm) =	ssettm $0x1  }
0xf: {  	s18 =	sld [smem:$0x3FFB];
	_ =	sdelay $0x3  }
0x10: {  	_ =	strace s18  }
0x11: {  	s3 =	sld [smem:$0x3FFC];
	_ =	sdelay $0x3  }
0x12: {  	_ =	strace s3  }
0x13: {  	s3 =	sld [smem:$0x3FFD];
	_ =	sdelay $0x3  }
0x14: {  	_ =	strace s3  }
0x15: {  	_ =	strace $0x8FFFFFFF  }
0x16: {  	s19 =	sld [smem:$0x3FDB];
	_ =	sdelay $0x1  }
0x17: {  	s20 =	simm.s32 $_scs_section_size  }
0x18: {  	s5 =	simm.s32 $_size__tile_overlayer_lowered;
	s6 =	simm.s32 $_tile_overlayer_lowered  }
0x19: {  	s23 =	simm.s32 $0x1BFF;
	s22 =	sshll.u32 s6, $0x1;
	s3 =	sadd.s32 s20, s19  }
0x1a: {  	s7 =	simm.s32 $0x0;
	s21 =	sshll.u32 s5, $0x1;
	s5 =	sadd.s32 s22, s3  }
0x1b: {  	[timem:s7], [sflag:s23] =	dma.local [hbm:s5], s21  }
0x1c: {  	_ =	swait.ge [sflag:s23], s21  }
0x1d: {  	s4 =	ssub.s32 $0x0, s21;
	[sflag:s23] =	ssyncset.done $0x0  }
0x1e: {  	[sflag:s23] =	ssyncadd.s32 s4;
	_ =	sdelay $0x1  }
0x1f: {  	s24 =	simm.s32 $0x1B8B  }
0x20: {  	_ =	swait.ge [sflag:s24], $0x1  }
0x21: {  	[sflag:s24] =	ssyncset.done $0x0  }
0x22: {  	s26 =	simm.s32 $0x1B8E;
	s25 =	sld [smem:$0x3FFE];
	[sflag:s24] =	ssyncadd.s32 $0xFFFFFFFF  }
0x23: {  	s27 =	simm.s32 $execute0_lowered;
	[smem:$0x3FD2] =	sst s26  }
0x24: {  	s5 =	sshll.u32 s27, $0x1;
	_ =	strace $0x80000046;
	[dreg:$0x1] =	wrdreg $0xFFFFFFFF  }
0x25: {  	s28 =	simm.s32 $_size_execute0_lowered;
	s3 =	sadd.s32 s3, s5;
	[dreg:$0x0] =	wrdreg $0x0  }
0x26: {  	s5 =	sshll.u32 s28, $0x1;
	[dreg:$0x2] =	wrdreg s3  }
0x27: {  	[dreg:$0x3] =	wrdreg s5  }
0x28: {  	[dreg:$0x4] =	wrdreg $0xC0  }
0x29: {  	_ =	task [dreg:s7], $0x5FFFF  }
0x2a: {  	[dreg:$0x1] =	wrdreg $0xFFFFFFFF  }
0x2b: {  	[dreg:$0x0] =	wrdreg $0x60  }
0x2c: {  	[dreg:$0x2] =	wrdreg s25  }
0x2d: {  	[dreg:$0x3] =	wrdreg s17  }
0x2e: {  	[dreg:$0x4] =	wrdreg $0x9  }
0x2f: {  	_ =	task.clear_ibuf [dreg:s7], $0x5FFFF;
	_ =	strace $0x90000046  }
0x30: {  	s29 =	simm.s32 $0x9;
	_ =	strace $0x80000048  }
0x31: {  	_ =	swait.ge [sflag:s29], $0x1  }
0x32: {  	[sflag:s29] =	ssyncadd.s32 $0xFFFFFFFF  }
0x33: {  	_ =	strace $0x90000048  }
0x34: {  	_ =	sfence  }
0x35: {  	s30 =	sld [smem:$0x0];
	_ =	sdelay $0x2  }
0x36: {  	s31 =	sshll.u32 s1, $0xD;
	s1 =	sshrl.u32 s1, $0x2  }
0x37: {  	s3 =	sand.u32 $0x4000, s31;
	s1 =	sadd.s32 s1, s30  }
0x38: {  	s0 =	sor.u32 s3, s0;
	s1 =	sshll.u32 s1, $0x11  }
0x39: {  	s0 =	sor.u32 s1, s0  }
0x3a: {  	s0 =	sadd.s32 $0x8F2B, s0  }
0x3b: {  	[sflag:s0] =	ssyncadd.remote.s32 $0x1  }
0x3c: {  	_ =	sfence.sel $0xFFFF  }
0x3d: {  	[dreg:$0x0] =	wrdreg $0xFFFFFFFF;
	(pc) =	sbr.abs _section_cstart, $3  }
0x3e: {  	[dreg:$0x1] =	wrdreg $0xFFFFFFFF  }
0x3f: {  	_ =	task.clear_ibuf [dreg:s7], $0x2FFFF;
	_ =	strace $0x9FFFFFFF  }
0x40: {  	(tm) =	ssettm $0x7FFFFFFF  }
0x41: {  	_ =	shalt  }
tec
execute0_lowered:
.L_overlay_start_1:
0x0: {  	(tag) =	ssettag $0x1  }
0x1: {  	s0 =	srdreg.scid;
	s5 =	rddreg [dreg:$0x0]  }
0x2: {  	s2 =	rddreg [dreg:$0x1];
	s4 =	simm.s32 $0x1;
	s7 =	simm.s32 $0x2  }
0x3: {  	s16 =	simm.s32 $0x0;
	p0 =	por $0x0, $0x0;
	s1 =	sshll.u32 s0, $0x4  }
0x4: {  	s15 =	simm.s32 $0x0;
	s0 =	stileid.u32;
	s1 =	sand.u32 $0x10, s1  }
0x5: {  	s17 =	simm.s32 $0x0;
	s9 =	simm.s32 $0x0;
	s1 =	sor.u32 s0, s1  }
0x6: {  	s10 =	simm.s32 $0x0;
	s12 =	simm.s32 $0x0;
	s3 =	sshll.u32 s1, $0x7  }
.Ltmp0:
0x7: {  	s13 =	simm.s32 $0x0;
	s6 =	ssub.s32 $0x18680, s3;
	(pc) =	sbr.rel .LBB1_1-.Ltmp0, $4  }
0x8: {  	s1 =	rddreg [dreg:$0x2];
	_ =	strace $0x80000047;
	s6 =	sshrl.u32 s6, $0xC  }
0x9: {  	s14 =	simm.s32 $0x0;
	[sflag:s4] =	ssyncpa.u1 $0x0;
	s8 =	smul.u32 $0x3, s6  }
0xa: {  	s5 =	sadd.s32 $0x92DC00, s5;
	s11 =	smov.u32 s3;
	[sflag:s7] =	ssyncpa.u1 $0x0  }
0xb: {  	s6 =	sadd.s32 $0x3, s8;
	s7 =	sadd.s32 $0x4, s8;
	s8 =	simm.s32 $0x0  }
.LBB1_5:
0xc: {  	p1 =	slt.u32 s14, $0x2  }
0xd: {  	p2 =	sgt.s32 @!p1 s17, $0x2  }
0xe: {  	s18 =	smov.u32 s17;
	s19 =	sshra.s32 @!p1 s17, $0x1F;
	p2 =	por !p2, p1  }
0xf: {  	s17 =	sand.u32 @!p1 s19, s17;
	s18 =	simm.s32 @p2 $0x2  }
0x10: {  	p2 =	sgt.s32 @!p1 s16, $0x18620;
	s17 =	ssub.s32 @!p1 s18, s17  }
0x11: {  	s19 =	sshra.s32 @!p1 s16, $0x1F;
	p2 =	por !p2, p1;
	s18 =	sadd.s32 @!p1 $0xFFFFFFFE, s17  }
0x12: {  	s17 =	ssub.s32 @!p1 $0x3, s17;
	p3 =	sgt.s32 @!p1 s18, $0x0;
	s18 =	smov.u32 s16  }
0x13: {  	s16 =	sand.u32 @!p1 s19, s16;
	s19 =	ssub.s32 @!p1 $0x0, s15;
	s18 =	simm.s32 @p2 $0x18620  }
0x14: {  	p2 =	por !p3, p1;
	s15 =	smin.u32 @!p1 s15, s19;
	s19 =	smov.u32 s12  }
0x15: {  	s17 =	simm.s32 @!p2 $0x0;
	s16 =	ssub.s32 @!p1 s18, s16;
	p2 =	sgt.s32 @!p1 s15, $0x7F  }
0x16: {  	s15 =	ssub.s32 @!p1 $0x80, s15;
	s18 =	sadd.s32 @!p1 $0xFFFE79E0, s16;
	p2 =	por !p2, p1  }
0x17: {  	s16 =	ssub.s32 @!p1 $0x186A0, s16;
	s15 =	simm.s32 @!p2 $0x0;
	p2 =	sgt.s32 @!p1 s18, $0x7F  }
0x18: {  	s18 =	sadd.s32 $0x1000, s11;
	p2 =	por !p2, p1;
	s15 =	smul.u32 @!p1 s17, s15  }
0x19: {  	s17 =	sadd.s32 $0x80, s12;
	s16 =	simm.s32 @!p2 $0x0;
	p2 =	sgt.s32 s18, $0x1869F  }
0x1a: {  	s15 =	smul.u32 @!p1 s16, s15;
	s19 =	smov.u32 @p2 s17  }
0x1b: {  	s18 =	smov.u32 @p2 s3;
	s16 =	simm.s32 $0x1;
	p2 =	sgt.s32 s19, $0x7F  }
0x1c: {  	s16 =	simm.s32 @!p2 $0x0  }
0x1d: {  	p0 =	por !p0, !p0;
	s22 =	sadd.s32 s16, s13  }
0x1e: {  	s20 =	simm.s32 @!p1 $0x2;
	s19 =	simm.s32 @p2 $0x0;
	p2 =	sgt.s32 s22, $0x2  }
0x1f: {  	s17 =	smov.u32 s10;
	s22 =	simm.s32 @p2 $0x0;
	p2 =	sne.s32 s14, s7  }
.Ltmp1:
0x20: {  	s10 =	smov.u32 s13;
	s15 =	sand.u32 @!p1 $0x3FFFFFFF, s15;
	(pc) =	sbr.rel @!p2 .LBB1_6-.Ltmp1, $4  }
0x21: {  	_ =	swait.ge @!p1 [sflag:s20], s15;
	s21 =	ssub.s32 @!p1 $0x0, s15;
	s16 =	smov.u32 s8  }
0x22: {  	s15 =	smov.u32 s9;
	s8 =	smov.u32 s11;
	s9 =	smov.u32 s12  }
0x23: {  	s11 =	smov.u32 s18;
	s12 =	smov.u32 s19;
	[sflag:s20] =	ssyncset.done @!p1 $0x0  }
0x24: {  	s14 =	sadd.s32 $0x1, s14;
	[sflag:s20] =	ssyncadd.s32 @!p1 s21;
	s13 =	smov.u32 s22  }
.LBB1_1:
0x25: {  	p1 =	sge.u32 s14, s6  }
0x26: {  	s18 =	sshrl.u32 @!p1 s12, $0x3  }
0x27: {  	s19 =	sshll.u32 @!p1 s11, $0x3;
	s18 =	smul.u32 @!p1 $0xC3800, s18  }
0x28: {  	s20 =	sshll.u32 @!p1 s12, $0x7;
	s19 =	sand.u32 @!p1 $0xFFFFFC00, s19  }
0x29: {  	s18 =	sadd.s32 @!p1 s18, s19;
	s19 =	sand.u32 @!p1 $0x380, s20  }
0x2a: {  	s20 =	sand.u32 @!p1 $0x7F, s11;
	s18 =	sor.u32 @!p1 s19, s18  }
0x2b: {  	s19 =	sor.u32 @!p1 s20, s18  }
0x2c: {  	s20 =	smulhi.u32 @!p1 $0xA79C7B17, s19  }
0x2d: {  	s18 =	smulhi.u32 @!p1 $0xA79C7B17, s18  }
0x2e: {  	s20 =	sshrl.u32 @!p1 s20, $0x10  }
0x2f: {  	s18 =	sshrl.u32 @!p1 s18, $0x10;
	s20 =	smul.u32 @!p1 $0x18700, s20  }
0x30: {  	s21 =	sxor.u32 @!p1 $0xFFFFFFFF, s14;
	s22 =	smul.u32 @!p1 $0x187000, s13;
	s18 =	sand.u32 @!p1 $0x7F, s18  }
0x31: {  	s21 =	sshll.u32 @!p1 s21, $0xE;
	s18 =	smul.u32 @!p1 $0x30E0, s18;
	s19 =	ssub.s32 @!p1 s19, s20  }
0x32: {  	s20 =	sand.u32 @!p1 $0x4000, s21;
	s21 =	sadd.s32 @!p1 s5, s22;
	s22 =	sand.u32 @!p1 $0x7, s19  }
0x33: {  	s19 =	sshrl.u32 @!p1 s19, $0x3;
	s18 =	sadd.s32 @!p1 s18, s21;
	s21 =	sshll.u32 @!p1 s22, $0x12  }
0x34: {  	s18 =	sadd.s32 @!p1 s19, s18;
	s19 =	sor.u32 @!p1 $0x400, s21;
	s21 =	simm.s32 @!p1 $0xC3800  }
0x35: {  	[tilespmem:s20], [sflag:$0x1] =	stream.strided.gather @!p1 [hbm4b:s18+s19], $0x4000, s21, s19, $0x38;
	[tilespmem:$0x10100] =	vst v63  }
0x36: {  	p1 =	seq.s32 s14, $0x0  }
0x37: {  	p2 =	sge.u32 @!p1 s14, s7  }
0x38: {  	p1 =	por p1, p2  }
.Ltmp2:
0x39: {  	_ = 	snop;
	(pc) =	sbr.rel @p1 .LBB1_5-.Ltmp2, $1  }
0x3a: {  	_ =	sdelay $0x3  }
0x3b: {  	s18 =	simm.s32 $0x1  }
0x3c: {  	_ =	swait.ge [sflag:s4], $0x4000;
	s18 =	simm.s32 @!p0 $0x0  }
0x3d: {  	[sflag:s4] =	ssyncset.done $0x0;
	s19 =	sshll.u32 s18, $0xE  }
0x3e: {  	[sflag:s4] =	ssyncadd.s32 $0xFFFFC000;
	s19 =	sor.u32 $0x40, s19  }
0x3f: {  	s18 =	smul.u32 $0x10200, s18;
	v0 =	vld [tilespmem:s19+$0x30]  }
0x40: {  	v1 =	vld [tilespmem:s19+$0xFFFFFFD0]  }
0x41: {  	s18 =	sshrl.u32 s18, $0x2;
	v5 =	vld [tilespmem:s19+$0xFFFFFFE0]  }
0x42: {  	v6 =	vld [tilespmem:s19+$0xFFFFFFF0];
	s21 =	sor.u32 $0x8000, s18  }
0x43: {  	s31 =	sand.u32 $0x1, s14;
	v4 =	vld [tilespmem:s19+$0x0];
	s20 =	sadd.s32 $0x0, s21  }
0x44: {  	v3 =	vld [tilespmem:s19+$0x10];
	s18 =	smul.u32 $0x10200, s31;
	[tilespmem:s20+$0x3870 ss:$0x81] =	vst.msk $0xffff, v0  }
0x45: {  	v2 =	vld [tilespmem:s19+$0x20];
	[tilespmem:s20+$0x810 ss:$0x81] =	vst.msk $0xffff, v1  }
0x46: {  	s18 =	sshrl.u32 s18, $0x2;
	v0 =	vld [tilespmem:s19+$0xFFFFFFC0];
	[tilespmem:s20+$0x1020 ss:$0x81] =	vst.msk $0xffff, v5;
	s19 =	sadd.s32 $0x80, s19  }
0x47: {  	s22 =	simm.s32 $0x4;
	s23 =	simm.s32 $0x8;
	s18 =	sor.u32 $0x8000, s18;
	[tilespmem:s20+$0x1830 ss:$0x81] =	vst.msk $0xffff, v6;
	v1 =	vld [tilespmem:s19+$0x30]  }
.LBB1_3:
0x48: {  	p1 =	sne.s32 s23, $0x1FC;
	v5 =	vld [tilespmem:s19+$0xFFFFFFD0];
	[tilespmem:s20+$0x2040 ss:$0x81] =	vst.msk $0xffff, v4  }
0x49: {  	v6 =	vld [tilespmem:s19+$0xFFFFFFE0];
	[tilespmem:s20+$0x2850 ss:$0x81] =	vst.msk $0xffff, v3  }
0x4a: {  	s24 =	sshra.s32 s22, $0x2;
	s22 =	smov.u32 s23;
	v7 =	vld [tilespmem:s19+$0xFFFFFFF0];
	[tilespmem:s20+$0x3060 ss:$0x81] =	vst.msk $0xffff, v2  }
.Ltmp3:
0x4b: {  	v4 =	vld [tilespmem:s19+$0x0];
	[tilespmem:s20+$0x0 ss:$0x81] =	vst.msk $0xffff, v0;
	s20 =	sadd.s32 s24, s21;
	(pc) =	sbr.rel @p1 .LBB1_3-.Ltmp3, $4  }
0x4c: {  	v3 =	vld [tilespmem:s19+$0x10];
	[tilespmem:s20+$0x3870 ss:$0x81] =	vst.msk $0xffff, v1  }
0x4d: {  	[tilespmem:s20+$0x810 ss:$0x81] =	vst.msk $0xffff, v5;
	v2 =	vld [tilespmem:s19+$0x20]  }
0x4e: {  	v0 =	vld [tilespmem:s19+$0xFFFFFFC0];
	[tilespmem:s20+$0x1020 ss:$0x81] =	vst.msk $0xffff, v6;
	s19 =	sadd.s32 $0x80, s19  }
0x4f: {  	s23 =	sadd.s32 $0x4, s23;
	v1 =	vld [tilespmem:s19+$0x30];
	[tilespmem:s20+$0x1830 ss:$0x81] =	vst.msk $0xffff, v7  }
0x50: {  	s23 =	sshll.u32 s8, $0x7;
	s24 =	sshll.u32 s9, $0x3  }
0x51: {  	p1 =	sgt.s32 s10, $0x2;
	s26 =	sshra.s32 s10, $0x1F;
	s22 =	sshra.s32 s22, $0x2  }
0x52: {  	s29 =	ssub.s32 $0x0, s9;
	s25 =	sand.u32 $0xFFFFFC00, s23;
	s24 =	sand.u32 $0xFFFFFC00, s24  }
0x53: {  	[tilespmem:s20+$0x2040 ss:$0x81] =	vst.msk $0xffff, v4;
	s30 =	sshra.s32 s8, $0x1F;
	s23 =	sand.u32 $0x380, s23;
	s24 =	sadd.s32 s24, s25  }
0x54: {  	s21 =	sadd.s32 s22, s21;
	[tilespmem:s20+$0x2850 ss:$0x81] =	vst.msk $0xffff, v3;
	s23 =	sor.u32 s23, s24;
	s24 =	smov.u32 s10  }
0x55: {  	s25 =	sand.u32 s26, s10;
	[tilespmem:s20+$0x3060 ss:$0x81] =	vst.msk $0xffff, v2;
	s23 =	sshrl.u32 s23, $0x7;
	s24 =	simm.s32 @!p1 $0x2  }
0x56: {  	v5 =	vld [tilespmem:s19+$0xFFFFFFD0];
	[tilespmem:s20+$0x0 ss:$0x81] =	vst.msk $0xffff, v0;
	s20 =	sand.u32 s30, s8;
	s26 =	smulhi.u32 $0x14F8B59, s23;
	s24 =	ssub.s32 s24, s25  }
0x57: {  	v58 =	vld [tilespmem:s19+$0xFFFFFFE0];
	s27 =	sadd.s32 $0xFFFFFFFE, s24;
	s22 =	ssub.s32 $0x3, s24;
	s24 =	smov.u32 s8  }
0x58: {  	v59 =	vld [tilespmem:s19+$0xFFFFFFF0];
	s28 =	sshrl.u32 s26, $0x9;
	p1 =	sgt.s32 s27, $0x0;
	s26 =	smin.u32 s9, s29  }
0x59: {  	v60 =	vld [tilespmem:s19+$0x0];
	s27 =	smul.u32 $0x186A00, s10;
	s22 =	simm.s32 @p1 $0x0;
	p1 =	sgt.s32 s8, $0x18620  }
0x5a: {  	v61 =	vld [tilespmem:s19+$0x10];
	[tilespmem:s21+$0x3870 ss:$0x81] =	vst.msk $0xffff, v1;
	s24 =	simm.s32 @!p1 $0x18620;
	p1 =	sgt.s32 s26, $0x7F;
	s26 =	ssub.s32 $0x80, s26  }
0x5b: {  	v62 =	vld [tilespmem:s19+$0x20];
	[tilespmem:s21+$0x810 ss:$0x81] =	vst.msk $0xffff, v5;
	s31 =	smul.u32 $0x186A0, s28;
	s20 =	ssub.s32 s24, s20;
	s26 =	simm.s32 @p1 $0x0  }
0x5c: {  	v63 =	vld [tilespmem:s19+$0xFFFFFFC0];
	[tilespmem:s21+$0x1020 ss:$0x81] =	vst.msk $0xffff, v58;
	s25 =	smul.u32 s22, s26;
	s26 =	sadd.s32 $0xFFFE79E0, s20  }
0x5d: {  	[tilespmem:s21+$0x1830 ss:$0x81] =	vst.msk $0xffff, v59;
	s28 =	sshrl.u32 s9, $0x3;
	s20 =	ssub.s32 $0x186A0, s20;
	p1 =	sgt.s32 s26, $0x7F  }
.Ltmp4:
0x5e: {  	[tilespmem:s21+$0x2040 ss:$0x81] =	vst.msk $0xffff, v60;
	s29 =	sand.u32 $0xF, s28;
	s20 =	simm.s32 @p1 $0x0;
	(pc) =	sbr.rel .LBB1_5-.Ltmp4, $4  }
0x5f: {  	[tilespmem:s21+$0x2850 ss:$0x81] =	vst.msk $0xffff, v61;
	s23 =	ssub.s32 s23, s31;
	s22 =	sadd.s32 s2, s27;
	s19 =	smul.u32 s20, s25  }
0x60: {  	[tilespmem:s21+$0x3060 ss:$0x81] =	vst.msk $0xffff, v62;
	s30 =	sshll.u32 s23, $0x4;
	s20 =	sadd.s32 s29, s22  }
0x61: {  	[tilespmem:s21+$0x0 ss:$0x81] =	vst.msk $0xffff, v63;
	s31 =	sand.u32 $0x7, s9;
	s20 =	sadd.s32 s30, s20;
	s19 =	sand.u32 $0x3FFFFFFF, s19  }
0x62: {  	[hbm4b:s20+s31] =	stream.linear.scatter [tilespmem:s18], [sflag:$0x2], s19, $0x20;
	[tilespmem:$0x10100] =	vst v63  }
.LBB1_6:
0x63: {  	_ =	sfence.sel $0x180000  }
0x64: {  	s2 =	simm.s32 $0x1;
	[bflag:$0x0] =	sbarrier.arrive $0xFFFF  }
0x65: {  	s31 =	simm.s32 $0x2;
	[sflag:s2] =	ssyncpa.u1 $0x1  }
0x66: {  	[sflag:s31] =	ssyncpa.u1 $0x1  }
0x67: {  	p0 =	sne.s32 s0, $0x0;
	_ =	strace $0x90000047  }
0x68: {  	s0 =	sadd.s32 @!p0 $0x100000, s1;
	[bflag:$0x2] =	sbarrier.arrive $0xFFFF  }
0x69: {  	[sflag:s0] =	ssyncadd.tile.s32 @!p0 $0x1;
	_ =	shalt  }
.Lfunc_end1:
_tile_overlayer_lowered:
.L_overlay_start_2:
0x6a: {  	(tag) =	ssettag $0x2  }
0x6b: {  	s0 =	rddreg [dreg:$0x0];
	s2 =	stileid.u32  }
0x6c: {  	s1 =	rddreg [dreg:$0x1];
	p0 =	sne.s32 s2, $0x0  }
0x6d: {  	s3 =	rddreg [dreg:$0x2];
	[bflag:$0x3] =	sbarrier.arrive $0xFFFF;
	s2 =	simm.s32 @!p0 $0x1C01  }
0x6e: {  	[timem:s3], [sflag:s2] =	dma.local @!p0 [hbm:s0], s1  }
0x6f: {  	s0 =	simm.s32 @!p0 $0x1  }
0x70: {  	_ =	swait.ge @!p0 [sflag:s0], s1  }
0x71: {  	s1 =	ssub.s32 @!p0 $0x0, s1;
	[sflag:s0] =	ssyncset.done @!p0 $0x0  }
0x72: {  	[sflag:s0] =	ssyncadd.s32 @!p0 s1  }
0x73: {  	[bflag:$0x3] =	sbarrier.arrive $0xFFFF  }
0x74: {  	_ =	shalt  }

</sc_bundles>
